<compile_context>
chip_gen: v7x
topology: tpu7x:2x2x1
jax: 0.10.2.dev20260603
libtpu: 0.0.44.dev20260713+nightly
codegen_flags: <defaults>
</compile_context>

<pallas_src>
import functools
import math

import jax
import jax.numpy as jnp
import numpy as np
from jax.experimental import pallas as pl
from jax.experimental.pallas import tpu as pltpu
from jax.experimental.pallas import tpu_sc as plsc

_GATHER_WINDOW = 64
_TC_ROWS = 32


_NBUF = 10


def _gather_sc(emb_table, idx3):
    nw, nch, w = idx3.shape
    n = nw * nch * w
    d = emb_table.shape[1]
    nbuf = _NBUF
    assert nch % nbuf == 0
    nout = nch // nbuf
    mesh = plsc.VectorSubcoreMesh(
        core_axis_name="core", subcore_axis_name="subcore")

    @functools.partial(
        pl.kernel,
        out_type=jax.ShapeDtypeStruct((n, d), emb_table.dtype),
        mesh=mesh,
        scratch_types=[
            pltpu.VMEM((nch, w), jnp.int32),
            pltpu.VMEM((nbuf, w, d), emb_table.dtype),
        ] + [pltpu.SemaphoreType.DMA] * (2 * nbuf),
    )
    def gather_kernel(table_hbm, idx_hbm, out_hbm, idx_v, rows_v, *sems):
        gsem, ssem = sems[:nbuf], sems[nbuf:]
        nc = jax.lax.axis_size("core")
        wid = jax.lax.axis_index("subcore") * nc + jax.lax.axis_index("core")
        base = wid * nch * w

        pltpu.sync_copy(idx_hbm.at[wid], idx_v)

        def gather_args(b, cb):
            return (table_hbm.at[idx_v.at[cb]], rows_v.at[b], gsem[b])

        def scatter_args(b, cb):
            return (rows_v.at[b], out_hbm.at[pl.ds(base + cb * w, w)],
                    ssem[b])

        for b in range(nbuf):
            pltpu.async_copy(*gather_args(b, b))

        @pl.loop(0, nout - 1)
        def _(g):
            c0 = g * nbuf
            for b in range(nbuf):
                pltpu.make_async_copy(*gather_args(b, c0 + b)).wait()
                pltpu.async_copy(*scatter_args(b, c0 + b))
            for b in range(nbuf):
                pltpu.make_async_copy(*scatter_args(b, c0 + b)).wait()
                pltpu.async_copy(*gather_args(b, c0 + b + nbuf))

        c0 = nch - nbuf
        for b in range(nbuf):
            pltpu.make_async_copy(*gather_args(b, c0 + b)).wait()
            pltpu.async_copy(*scatter_args(b, c0 + b))
        for b in range(nbuf):
            pltpu.make_async_copy(*scatter_args(b, c0 + b)).wait()

    return gather_kernel(emb_table, idx3)


_SIN_C = (9.99997790e-01, -1.66659390e-01, 8.32668430e-03,
          -1.95941333e-04, 2.35160690e-06)


def _temporal_body(t_ref, ipv_ref, ph_ref, o_ref):
    x = t_ref[...][:, :, None] * ipv_ref[...] + ph_ref[...]
    x2 = x * x
    p = _SIN_C[4]
    for c in (_SIN_C[3], _SIN_C[2], _SIN_C[1], _SIN_C[0]):
        p = p * x2 + c
    o_ref[...] = p * x


def _temporal_tc(event_time, d):
    b, s = event_time.shape
    i = np.arange(d)
    inv_pv = jnp.asarray(
        (10000.0 ** (-2.0 * (i // 2) / d)).astype(np.float32).reshape(1, 1, d))
    phase = jnp.asarray(
        np.where(i % 2 == 0, 0.0, math.pi / 2)
        .astype(np.float32).reshape(1, 1, d))

    rows = _TC_ROWS
    return pl.pallas_call(
        _temporal_body,
        grid=(b // rows,),
        in_specs=[
            pl.BlockSpec((rows, s), lambda g: (g, 0)),
            pl.BlockSpec((1, 1, d), lambda g: (0, 0, 0)),
            pl.BlockSpec((1, 1, d), lambda g: (0, 0, 0)),
        ],
        out_specs=pl.BlockSpec((rows, s, d), lambda g: (g, 0, 0)),
        out_shape=jax.ShapeDtypeStruct((b, s, d), jnp.float32),
    )(event_time, inv_pv, phase)


def kernel(event_type, event_time, non_pad_mask, emb_table):
    b, s = event_type.shape
    d = emb_table.shape[1]
    nw = 32
    idx3 = event_type.reshape(
        nw, b * s // (nw * _GATHER_WINDOW), _GATHER_WINDOW).astype(jnp.int32)
    del non_pad_mask
    enc_output = _gather_sc(emb_table, idx3).reshape(b, s, d)
    tem_enc = _temporal_tc(event_time, d)
    return enc_output, tem_enc

# --- scband reference (transcript-rebuilt; emitter-appended) ---
"""Pipeline reference for scband-embeddings-20194936226058 (READ-ONLY COPY).

The authoritative reference and input builder live on the scoring server;
editing this copy changes nothing except your own understanding.
"""

import jax, jax.numpy as jnp
import numpy as np
import math

B, S = 1024, 200
NUM_TYPES = 100000
D_MODEL = 128


def setup_inputs(seed: int = 0) -> dict:
    key = jax.random.key(seed)
    k1, k2, k3 = jax.random.split(key, 3)
    event_type = jax.random.randint(k1, (B, S), 0, NUM_TYPES + 1)
    event_time = jax.random.uniform(k2, (B, S), dtype=jnp.float32)
    non_pad_mask = jnp.ones((B, S, 1), dtype=jnp.float32)
    emb_table = jax.random.normal(k3, (NUM_TYPES + 1, D_MODEL), dtype=jnp.float32) * 0.02
    # padding_idx = Constants.PAD = 0: row 0 is zeros in nn.Embedding
    emb_table = emb_table.at[0].set(0.0)
    return {"event_type": event_type, "event_time": event_time,
            "non_pad_mask": non_pad_mask, "emb_table": emb_table}


def reference(event_type, event_time, non_pad_mask, emb_table):
    d_model = emb_table.shape[1]
    position_vec = jnp.asarray(
        [math.pow(10000.0, 2.0 * (i // 2) / d_model) for i in range(d_model)],
        dtype=jnp.float32)
    # temporal_enc
    result = event_time[:, :, None] / position_vec  # [B, S, d_model]
    idx = jnp.arange(d_model)
    result = jnp.where(idx % 2 == 0, jnp.sin(result), jnp.cos(result))
    tem_enc = result * non_pad_mask
    # event embedding lookup (gather)
    enc_output = jnp.take(emb_table, event_type, axis=0)
    return (enc_output, tem_enc)

if __name__ == "__main__":
    import jax
    _d = setup_inputs()
    print(jax.jit(kernel)(*tuple(_d.values())))

</pallas_src>

<mosaic_0001>
#map = affine_map<(d0, d1) -> (0, 0)>
#map1 = affine_map<(d0, d1) -> (0, 0, 0)>
module attributes {stable_mosaic.version = 14 : i64} {
  func.func @gather_kernel(%arg0: i32, %arg1: i32, %arg2: memref<100001x128xf32, #tpu.memory_space<hbm>>, %arg3: memref<32x100x64xi32, #tpu.memory_space<hbm>>, %arg4: memref<204800x128xf32, #tpu.memory_space<hbm>>, %arg5: memref<100x64xi32, #tpu.memory_space<vmem>>, %arg6: memref<10x64x128xf32, #tpu.memory_space<vmem>>, %arg7: memref<!tpu.dma_semaphore, #tpu.memory_space<semaphore_mem>>, %arg8: memref<!tpu.dma_semaphore, #tpu.memory_space<semaphore_mem>>, %arg9: memref<!tpu.dma_semaphore, #tpu.memory_space<semaphore_mem>>, %arg10: memref<!tpu.dma_semaphore, #tpu.memory_space<semaphore_mem>>, %arg11: memref<!tpu.dma_semaphore, #tpu.memory_space<semaphore_mem>>, %arg12: memref<!tpu.dma_semaphore, #tpu.memory_space<semaphore_mem>>, %arg13: memref<!tpu.dma_semaphore, #tpu.memory_space<semaphore_mem>>, %arg14: memref<!tpu.dma_semaphore, #tpu.memory_space<semaphore_mem>>, %arg15: memref<!tpu.dma_semaphore, #tpu.memory_space<semaphore_mem>>, %arg16: memref<!tpu.dma_semaphore, #tpu.memory_space<semaphore_mem>>, %arg17: memref<!tpu.dma_semaphore, #tpu.memory_space<semaphore_mem>>, %arg18: memref<!tpu.dma_semaphore, #tpu.memory_space<semaphore_mem>>, %arg19: memref<!tpu.dma_semaphore, #tpu.memory_space<semaphore_mem>>, %arg20: memref<!tpu.dma_semaphore, #tpu.memory_space<semaphore_mem>>, %arg21: memref<!tpu.dma_semaphore, #tpu.memory_space<semaphore_mem>>, %arg22: memref<!tpu.dma_semaphore, #tpu.memory_space<semaphore_mem>>, %arg23: memref<!tpu.dma_semaphore, #tpu.memory_space<semaphore_mem>>, %arg24: memref<!tpu.dma_semaphore, #tpu.memory_space<semaphore_mem>>, %arg25: memref<!tpu.dma_semaphore, #tpu.memory_space<semaphore_mem>>, %arg26: memref<!tpu.dma_semaphore, #tpu.memory_space<semaphore_mem>>) attributes {dimension_semantics = [#tpu.dimension_semantics<core_parallel>, #tpu.dimension_semantics<subcore_parallel>], iteration_bounds = array<i64: 2, 16>, scalar_prefetch = 0 : i64, scratch_operands = 22 : i64, tpu.core_type = #tpu.core_type<sc_vector_subcore>, window_params = [{transform_indices = #map}, {transform_indices = #map1}, {transform_indices = #map}]} {
    %mul3A = arith.constant 2 : i32
    %mul3A_0 = arith.muli %arg1, %mul3A : i32
    %add3A = arith.addi %mul3A_0, %arg0 : i32
    %mul3A_1 = arith.constant 100 : i32
    %mul3A_2 = arith.muli %add3A, %mul3A_1 : i32
    %mul3A_3 = arith.constant 64 : i32
    %mul3A_4 = arith.muli %mul3A_2, %mul3A_3 : i32
    "tpu.region"() ({
      %run_scoped3A = tpu.sem_alloc : memref<!tpu.dma_semaphore, #tpu.memory_space<semaphore_mem>>
      %dma_start3A_547 = arith.constant 0 : i32
      %dma_start3A_548 = arith.constant 0 : i32
      %dma_start3A_549 = tpu.memref_slice %arg3[%add3A, %dma_start3A_547, %dma_start3A_548] : memref<32x100x64xi32, #tpu.memory_space<hbm>> -> memref<1x100x64xi32, #tpu.memory_space<hbm>>
      %dma_start3A_550 = tpu.memref_squeeze %dma_start3A_549 : memref<1x100x64xi32, #tpu.memory_space<hbm>> -> memref<100x64xi32, #tpu.memory_space<hbm>>
      %dma_start3A_551 = arith.constant 0 : i32
      %dma_start3A_552 = arith.constant 0 : i32
      %dma_start3A_553 = tpu.memref_slice %arg3[%add3A, %dma_start3A_551, %dma_start3A_552] : memref<32x100x64xi32, #tpu.memory_space<hbm>> -> memref<1x100x64xi32, #tpu.memory_space<hbm>>
      %dma_start3A_554 = tpu.memref_squeeze %dma_start3A_553 : memref<1x100x64xi32, #tpu.memory_space<hbm>> -> memref<100x64xi32, #tpu.memory_space<hbm>>
      tpu.enqueue_dma source(%dma_start3A_554 : memref<100x64xi32, #tpu.memory_space<hbm>>) target(%arg5 : memref<100x64xi32, #tpu.memory_space<vmem>>) target_semaphore(%run_scoped3A : memref<!tpu.dma_semaphore, #tpu.memory_space<semaphore_mem>>)
      %dma_wait3A_555 = arith.constant 0 : i32
      %dma_wait3A_556 = arith.constant 0 : i32
      %dma_wait3A_557 = tpu.memref_slice %arg3[%add3A, %dma_wait3A_555, %dma_wait3A_556] : memref<32x100x64xi32, #tpu.memory_space<hbm>> -> memref<1x100x64xi32, #tpu.memory_space<hbm>>
      %dma_wait3A_558 = tpu.memref_squeeze %dma_wait3A_557 : memref<1x100x64xi32, #tpu.memory_space<hbm>> -> memref<100x64xi32, #tpu.memory_space<hbm>>
      %dma_wait3A_559 = arith.constant 0 : i32
      %dma_wait3A_560 = arith.constant 0 : i32
      %dma_wait3A_561 = tpu.memref_slice %arg3[%add3A, %dma_wait3A_559, %dma_wait3A_560] : memref<32x100x64xi32, #tpu.memory_space<hbm>> -> memref<1x100x64xi32, #tpu.memory_space<hbm>>
      %dma_wait3A_562 = tpu.memref_squeeze %dma_wait3A_561 : memref<1x100x64xi32, #tpu.memory_space<hbm>> -> memref<100x64xi32, #tpu.memory_space<hbm>>
      tpu.wait_dma2 semaphore(%run_scoped3A : memref<!tpu.dma_semaphore, #tpu.memory_space<semaphore_mem>>) src(%dma_wait3A_562 : memref<100x64xi32, #tpu.memory_space<hbm>>) dst(%arg5 : memref<100x64xi32, #tpu.memory_space<vmem>>)
      tpu.yield
    }) : () -> ()
    %dma_start3A = arith.constant 0 : i32
    %dma_start3A_5 = arith.constant 0 : i32
    %dma_start3A_6 = arith.constant 0 : i32
    %dma_start3A_7 = arith.constant 0 : i32
    %dma_start3A_8 = tpu.memref_slice %arg6[%dma_start3A_5, %dma_start3A_6, %dma_start3A_7] : memref<10x64x128xf32, #tpu.memory_space<vmem>> -> memref<1x64x128xf32, #tpu.memory_space<vmem>>
    %dma_start3A_9 = tpu.memref_squeeze %dma_start3A_8 : memref<1x64x128xf32, #tpu.memory_space<vmem>> -> memref<64x128xf32, #tpu.memory_space<vmem>>
    %dma_start3A_10 = arith.constant 0 : i32
    %dma_start3A_11 = tpu.memref_slice %arg5[%dma_start3A, %dma_start3A_10] : memref<100x64xi32, #tpu.memory_space<vmem>> -> memref<1x64xi32, #tpu.memory_space<vmem>>
    %dma_start3A_12 = tpu.memref_squeeze %dma_start3A_11 : memref<1x64xi32, #tpu.memory_space<vmem>> -> memref<64xi32, #tpu.memory_space<vmem>>
    %dma_start3A_13 = arith.constant 0 : i32
    %dma_start3A_14 = arith.constant 0 : i32
    %dma_start3A_15 = tpu.memref_slice %arg2[%dma_start3A_13, %dma_start3A_14] : memref<100001x128xf32, #tpu.memory_space<hbm>> -> memref<100001x128xf32, #tpu.memory_space<hbm>>
    tpu.enqueue_indirect_dma source(%dma_start3A_15 : memref<100001x128xf32, #tpu.memory_space<hbm>>) target(%dma_start3A_9 : memref<64x128xf32, #tpu.memory_space<vmem>>) offsets(%dma_start3A_12 : memref<64xi32, #tpu.memory_space<vmem>>) semaphore(%arg7 : memref<!tpu.dma_semaphore, #tpu.memory_space<semaphore_mem>>)
    %dma_start3A_16 = arith.constant 1 : i32
    %dma_start3A_17 = arith.constant 1 : i32
    %dma_start3A_18 = arith.constant 0 : i32
    %dma_start3A_19 = arith.constant 0 : i32
    %dma_start3A_20 = tpu.memref_slice %arg6[%dma_start3A_17, %dma_start3A_18, %dma_start3A_19] : memref<10x64x128xf32, #tpu.memory_space<vmem>> -> memref<1x64x128xf32, #tpu.memory_space<vmem>>
    %dma_start3A_21 = tpu.memref_squeeze %dma_start3A_20 : memref<1x64x128xf32, #tpu.memory_space<vmem>> -> memref<64x128xf32, #tpu.memory_space<vmem>>
    %dma_start3A_22 = arith.constant 0 : i32
    %dma_start3A_23 = tpu.memref_slice %arg5[%dma_start3A_16, %dma_start3A_22] : memref<100x64xi32, #tpu.memory_space<vmem>> -> memref<1x64xi32, #tpu.memory_space<vmem>>
    %dma_start3A_24 = tpu.memref_squeeze %dma_start3A_23 : memref<1x64xi32, #tpu.memory_space<vmem>> -> memref<64xi32, #tpu.memory_space<vmem>>
    %dma_start3A_25 = arith.constant 0 : i32
    %dma_start3A_26 = arith.constant 0 : i32
    %dma_start3A_27 = tpu.memref_slice %arg2[%dma_start3A_25, %dma_start3A_26] : memref<100001x128xf32, #tpu.memory_space<hbm>> -> memref<100001x128xf32, #tpu.memory_space<hbm>>
    tpu.enqueue_indirect_dma source(%dma_start3A_27 : memref<100001x128xf32, #tpu.memory_space<hbm>>) target(%dma_start3A_21 : memref<64x128xf32, #tpu.memory_space<vmem>>) offsets(%dma_start3A_24 : memref<64xi32, #tpu.memory_space<vmem>>) semaphore(%arg8 : memref<!tpu.dma_semaphore, #tpu.memory_space<semaphore_mem>>)
    %dma_start3A_28 = arith.constant 2 : i32
    %dma_start3A_29 = arith.constant 2 : i32
    %dma_start3A_30 = arith.constant 0 : i32
    %dma_start3A_31 = arith.constant 0 : i32
    %dma_start3A_32 = tpu.memref_slice %arg6[%dma_start3A_29, %dma_start3A_30, %dma_start3A_31] : memref<10x64x128xf32, #tpu.memory_space<vmem>> -> memref<1x64x128xf32, #tpu.memory_space<vmem>>
    %dma_start3A_33 = tpu.memref_squeeze %dma_start3A_32 : memref<1x64x128xf32, #tpu.memory_space<vmem>> -> memref<64x128xf32, #tpu.memory_space<vmem>>
    %dma_start3A_34 = arith.constant 0 : i32
    %dma_start3A_35 = tpu.memref_slice %arg5[%dma_start3A_28, %dma_start3A_34] : memref<100x64xi32, #tpu.memory_space<vmem>> -> memref<1x64xi32, #tpu.memory_space<vmem>>
    %dma_start3A_36 = tpu.memref_squeeze %dma_start3A_35 : memref<1x64xi32, #tpu.memory_space<vmem>> -> memref<64xi32, #tpu.memory_space<vmem>>
    %dma_start3A_37 = arith.constant 0 : i32
    %dma_start3A_38 = arith.constant 0 : i32
    %dma_start3A_39 = tpu.memref_slice %arg2[%dma_start3A_37, %dma_start3A_38] : memref<100001x128xf32, #tpu.memory_space<hbm>> -> memref<100001x128xf32, #tpu.memory_space<hbm>>
    tpu.enqueue_indirect_dma source(%dma_start3A_39 : memref<100001x128xf32, #tpu.memory_space<hbm>>) target(%dma_start3A_33 : memref<64x128xf32, #tpu.memory_space<vmem>>) offsets(%dma_start3A_36 : memref<64xi32, #tpu.memory_space<vmem>>) semaphore(%arg9 : memref<!tpu.dma_semaphore, #tpu.memory_space<semaphore_mem>>)
    %dma_start3A_40 = arith.constant 3 : i32
    %dma_start3A_41 = arith.constant 3 : i32
    %dma_start3A_42 = arith.constant 0 : i32
    %dma_start3A_43 = arith.constant 0 : i32
    %dma_start3A_44 = tpu.memref_slice %arg6[%dma_start3A_41, %dma_start3A_42, %dma_start3A_43] : memref<10x64x128xf32, #tpu.memory_space<vmem>> -> memref<1x64x128xf32, #tpu.memory_space<vmem>>
    %dma_start3A_45 = tpu.memref_squeeze %dma_start3A_44 : memref<1x64x128xf32, #tpu.memory_space<vmem>> -> memref<64x128xf32, #tpu.memory_space<vmem>>
    %dma_start3A_46 = arith.constant 0 : i32
    %dma_start3A_47 = tpu.memref_slice %arg5[%dma_start3A_40, %dma_start3A_46] : memref<100x64xi32, #tpu.memory_space<vmem>> -> memref<1x64xi32, #tpu.memory_space<vmem>>
    %dma_start3A_48 = tpu.memref_squeeze %dma_start3A_47 : memref<1x64xi32, #tpu.memory_space<vmem>> -> memref<64xi32, #tpu.memory_space<vmem>>
    %dma_start3A_49 = arith.constant 0 : i32
    %dma_start3A_50 = arith.constant 0 : i32
    %dma_start3A_51 = tpu.memref_slice %arg2[%dma_start3A_49, %dma_start3A_50] : memref<100001x128xf32, #tpu.memory_space<hbm>> -> memref<100001x128xf32, #tpu.memory_space<hbm>>
    tpu.enqueue_indirect_dma source(%dma_start3A_51 : memref<100001x128xf32, #tpu.memory_space<hbm>>) target(%dma_start3A_45 : memref<64x128xf32, #tpu.memory_space<vmem>>) offsets(%dma_start3A_48 : memref<64xi32, #tpu.memory_space<vmem>>) semaphore(%arg10 : memref<!tpu.dma_semaphore, #tpu.memory_space<semaphore_mem>>)
    %dma_start3A_52 = arith.constant 4 : i32
    %dma_start3A_53 = arith.constant 4 : i32
    %dma_start3A_54 = arith.constant 0 : i32
    %dma_start3A_55 = arith.constant 0 : i32
    %dma_start3A_56 = tpu.memref_slice %arg6[%dma_start3A_53, %dma_start3A_54, %dma_start3A_55] : memref<10x64x128xf32, #tpu.memory_space<vmem>> -> memref<1x64x128xf32, #tpu.memory_space<vmem>>
    %dma_start3A_57 = tpu.memref_squeeze %dma_start3A_56 : memref<1x64x128xf32, #tpu.memory_space<vmem>> -> memref<64x128xf32, #tpu.memory_space<vmem>>
    %dma_start3A_58 = arith.constant 0 : i32
    %dma_start3A_59 = tpu.memref_slice %arg5[%dma_start3A_52, %dma_start3A_58] : memref<100x64xi32, #tpu.memory_space<vmem>> -> memref<1x64xi32, #tpu.memory_space<vmem>>
    %dma_start3A_60 = tpu.memref_squeeze %dma_start3A_59 : memref<1x64xi32, #tpu.memory_space<vmem>> -> memref<64xi32, #tpu.memory_space<vmem>>
    %dma_start3A_61 = arith.constant 0 : i32
    %dma_start3A_62 = arith.constant 0 : i32
    %dma_start3A_63 = tpu.memref_slice %arg2[%dma_start3A_61, %dma_start3A_62] : memref<100001x128xf32, #tpu.memory_space<hbm>> -> memref<100001x128xf32, #tpu.memory_space<hbm>>
    tpu.enqueue_indirect_dma source(%dma_start3A_63 : memref<100001x128xf32, #tpu.memory_space<hbm>>) target(%dma_start3A_57 : memref<64x128xf32, #tpu.memory_space<vmem>>) offsets(%dma_start3A_60 : memref<64xi32, #tpu.memory_space<vmem>>) semaphore(%arg11 : memref<!tpu.dma_semaphore, #tpu.memory_space<semaphore_mem>>)
    %dma_start3A_64 = arith.constant 5 : i32
    %dma_start3A_65 = arith.constant 5 : i32
    %dma_start3A_66 = arith.constant 0 : i32
    %dma_start3A_67 = arith.constant 0 : i32
    %dma_start3A_68 = tpu.memref_slice %arg6[%dma_start3A_65, %dma_start3A_66, %dma_start3A_67] : memref<10x64x128xf32, #tpu.memory_space<vmem>> -> memref<1x64x128xf32, #tpu.memory_space<vmem>>
    %dma_start3A_69 = tpu.memref_squeeze %dma_start3A_68 : memref<1x64x128xf32, #tpu.memory_space<vmem>> -> memref<64x128xf32, #tpu.memory_space<vmem>>
    %dma_start3A_70 = arith.constant 0 : i32
    %dma_start3A_71 = tpu.memref_slice %arg5[%dma_start3A_64, %dma_start3A_70] : memref<100x64xi32, #tpu.memory_space<vmem>> -> memref<1x64xi32, #tpu.memory_space<vmem>>
    %dma_start3A_72 = tpu.memref_squeeze %dma_start3A_71 : memref<1x64xi32, #tpu.memory_space<vmem>> -> memref<64xi32, #tpu.memory_space<vmem>>
    %dma_start3A_73 = arith.constant 0 : i32
    %dma_start3A_74 = arith.constant 0 : i32
    %dma_start3A_75 = tpu.memref_slice %arg2[%dma_start3A_73, %dma_start3A_74] : memref<100001x128xf32, #tpu.memory_space<hbm>> -> memref<100001x128xf32, #tpu.memory_space<hbm>>
    tpu.enqueue_indirect_dma source(%dma_start3A_75 : memref<100001x128xf32, #tpu.memory_space<hbm>>) target(%dma_start3A_69 : memref<64x128xf32, #tpu.memory_space<vmem>>) offsets(%dma_start3A_72 : memref<64xi32, #tpu.memory_space<vmem>>) semaphore(%arg12 : memref<!tpu.dma_semaphore, #tpu.memory_space<semaphore_mem>>)
    %dma_start3A_76 = arith.constant 6 : i32
    %dma_start3A_77 = arith.constant 6 : i32
    %dma_start3A_78 = arith.constant 0 : i32
    %dma_start3A_79 = arith.constant 0 : i32
    %dma_start3A_80 = tpu.memref_slice %arg6[%dma_start3A_77, %dma_start3A_78, %dma_start3A_79] : memref<10x64x128xf32, #tpu.memory_space<vmem>> -> memref<1x64x128xf32, #tpu.memory_space<vmem>>
    %dma_start3A_81 = tpu.memref_squeeze %dma_start3A_80 : memref<1x64x128xf32, #tpu.memory_space<vmem>> -> memref<64x128xf32, #tpu.memory_space<vmem>>
    %dma_start3A_82 = arith.constant 0 : i32
    %dma_start3A_83 = tpu.memref_slice %arg5[%dma_start3A_76, %dma_start3A_82] : memref<100x64xi32, #tpu.memory_space<vmem>> -> memref<1x64xi32, #tpu.memory_space<vmem>>
    %dma_start3A_84 = tpu.memref_squeeze %dma_start3A_83 : memref<1x64xi32, #tpu.memory_space<vmem>> -> memref<64xi32, #tpu.memory_space<vmem>>
    %dma_start3A_85 = arith.constant 0 : i32
    %dma_start3A_86 = arith.constant 0 : i32
    %dma_start3A_87 = tpu.memref_slice %arg2[%dma_start3A_85, %dma_start3A_86] : memref<100001x128xf32, #tpu.memory_space<hbm>> -> memref<100001x128xf32, #tpu.memory_space<hbm>>
    tpu.enqueue_indirect_dma source(%dma_start3A_87 : memref<100001x128xf32, #tpu.memory_space<hbm>>) target(%dma_start3A_81 : memref<64x128xf32, #tpu.memory_space<vmem>>) offsets(%dma_start3A_84 : memref<64xi32, #tpu.memory_space<vmem>>) semaphore(%arg13 : memref<!tpu.dma_semaphore, #tpu.memory_space<semaphore_mem>>)
    %dma_start3A_88 = arith.constant 7 : i32
    %dma_start3A_89 = arith.constant 7 : i32
    %dma_start3A_90 = arith.constant 0 : i32
    %dma_start3A_91 = arith.constant 0 : i32
    %dma_start3A_92 = tpu.memref_slice %arg6[%dma_start3A_89, %dma_start3A_90, %dma_start3A_91] : memref<10x64x128xf32, #tpu.memory_space<vmem>> -> memref<1x64x128xf32, #tpu.memory_space<vmem>>
    %dma_start3A_93 = tpu.memref_squeeze %dma_start3A_92 : memref<1x64x128xf32, #tpu.memory_space<vmem>> -> memref<64x128xf32, #tpu.memory_space<vmem>>
    %dma_start3A_94 = arith.constant 0 : i32
    %dma_start3A_95 = tpu.memref_slice %arg5[%dma_start3A_88, %dma_start3A_94] : memref<100x64xi32, #tpu.memory_space<vmem>> -> memref<1x64xi32, #tpu.memory_space<vmem>>
    %dma_start3A_96 = tpu.memref_squeeze %dma_start3A_95 : memref<1x64xi32, #tpu.memory_space<vmem>> -> memref<64xi32, #tpu.memory_space<vmem>>
    %dma_start3A_97 = arith.constant 0 : i32
    %dma_start3A_98 = arith.constant 0 : i32
    %dma_start3A_99 = tpu.memref_slice %arg2[%dma_start3A_97, %dma_start3A_98] : memref<100001x128xf32, #tpu.memory_space<hbm>> -> memref<100001x128xf32, #tpu.memory_space<hbm>>
    tpu.enqueue_indirect_dma source(%dma_start3A_99 : memref<100001x128xf32, #tpu.memory_space<hbm>>) target(%dma_start3A_93 : memref<64x128xf32, #tpu.memory_space<vmem>>) offsets(%dma_start3A_96 : memref<64xi32, #tpu.memory_space<vmem>>) semaphore(%arg14 : memref<!tpu.dma_semaphore, #tpu.memory_space<semaphore_mem>>)
    %dma_start3A_100 = arith.constant 8 : i32
    %dma_start3A_101 = arith.constant 8 : i32
    %dma_start3A_102 = arith.constant 0 : i32
    %dma_start3A_103 = arith.constant 0 : i32
    %dma_start3A_104 = tpu.memref_slice %arg6[%dma_start3A_101, %dma_start3A_102, %dma_start3A_103] : memref<10x64x128xf32, #tpu.memory_space<vmem>> -> memref<1x64x128xf32, #tpu.memory_space<vmem>>
    %dma_start3A_105 = tpu.memref_squeeze %dma_start3A_104 : memref<1x64x128xf32, #tpu.memory_space<vmem>> -> memref<64x128xf32, #tpu.memory_space<vmem>>
    %dma_start3A_106 = arith.constant 0 : i32
    %dma_start3A_107 = tpu.memref_slice %arg5[%dma_start3A_100, %dma_start3A_106] : memref<100x64xi32, #tpu.memory_space<vmem>> -> memref<1x64xi32, #tpu.memory_space<vmem>>
    %dma_start3A_108 = tpu.memref_squeeze %dma_start3A_107 : memref<1x64xi32, #tpu.memory_space<vmem>> -> memref<64xi32, #tpu.memory_space<vmem>>
    %dma_start3A_109 = arith.constant 0 : i32
    %dma_start3A_110 = arith.constant 0 : i32
    %dma_start3A_111 = tpu.memref_slice %arg2[%dma_start3A_109, %dma_start3A_110] : memref<100001x128xf32, #tpu.memory_space<hbm>> -> memref<100001x128xf32, #tpu.memory_space<hbm>>
    tpu.enqueue_indirect_dma source(%dma_start3A_111 : memref<100001x128xf32, #tpu.memory_space<hbm>>) target(%dma_start3A_105 : memref<64x128xf32, #tpu.memory_space<vmem>>) offsets(%dma_start3A_108 : memref<64xi32, #tpu.memory_space<vmem>>) semaphore(%arg15 : memref<!tpu.dma_semaphore, #tpu.memory_space<semaphore_mem>>)
    %dma_start3A_112 = arith.constant 9 : i32
    %dma_start3A_113 = arith.constant 9 : i32
    %dma_start3A_114 = arith.constant 0 : i32
    %dma_start3A_115 = arith.constant 0 : i32
    %dma_start3A_116 = tpu.memref_slice %arg6[%dma_start3A_113, %dma_start3A_114, %dma_start3A_115] : memref<10x64x128xf32, #tpu.memory_space<vmem>> -> memref<1x64x128xf32, #tpu.memory_space<vmem>>
    %dma_start3A_117 = tpu.memref_squeeze %dma_start3A_116 : memref<1x64x128xf32, #tpu.memory_space<vmem>> -> memref<64x128xf32, #tpu.memory_space<vmem>>
    %dma_start3A_118 = arith.constant 0 : i32
    %dma_start3A_119 = tpu.memref_slice %arg5[%dma_start3A_112, %dma_start3A_118] : memref<100x64xi32, #tpu.memory_space<vmem>> -> memref<1x64xi32, #tpu.memory_space<vmem>>
    %dma_start3A_120 = tpu.memref_squeeze %dma_start3A_119 : memref<1x64xi32, #tpu.memory_space<vmem>> -> memref<64xi32, #tpu.memory_space<vmem>>
    %dma_start3A_121 = arith.constant 0 : i32
    %dma_start3A_122 = arith.constant 0 : i32
    %dma_start3A_123 = tpu.memref_slice %arg2[%dma_start3A_121, %dma_start3A_122] : memref<100001x128xf32, #tpu.memory_space<hbm>> -> memref<100001x128xf32, #tpu.memory_space<hbm>>
    tpu.enqueue_indirect_dma source(%dma_start3A_123 : memref<100001x128xf32, #tpu.memory_space<hbm>>) target(%dma_start3A_117 : memref<64x128xf32, #tpu.memory_space<vmem>>) offsets(%dma_start3A_120 : memref<64xi32, #tpu.memory_space<vmem>>) semaphore(%arg16 : memref<!tpu.dma_semaphore, #tpu.memory_space<semaphore_mem>>)
    %scan3A = arith.constant 0 : i32
    %scan3A_124 = arith.constant 9 : i32
    %scan3A_125 = arith.addi %scan3A, %scan3A_124 : i32
    %scan3A_126 = arith.constant 1 : i32
    scf.for %scan3A_547 = %scan3A to %scan3A_125 step %scan3A_126  : i32 {
      %mul3A_548 = arith.constant 1 : i32
      %mul3A_549 = arith.muli %scan3A_547, %mul3A_548 : i32
      %add3A_550 = arith.constant 0 : i32
      %add3A_551 = arith.addi %add3A_550, %mul3A_549 : i32
      %mul3A_552 = arith.constant 10 : i32
      %mul3A_553 = arith.muli %add3A_551, %mul3A_552 : i32
      %add3A_554 = arith.constant 0 : i32
      %add3A_555 = arith.addi %mul3A_553, %add3A_554 : i32
      %dma_wait3A_556 = arith.constant 0 : i32
      %dma_wait3A_557 = arith.constant 0 : i32
      %dma_wait3A_558 = arith.constant 0 : i32
      %dma_wait3A_559 = tpu.memref_slice %arg6[%dma_wait3A_556, %dma_wait3A_557, %dma_wait3A_558] : memref<10x64x128xf32, #tpu.memory_space<vmem>> -> memref<1x64x128xf32, #tpu.memory_space<vmem>>
      %dma_wait3A_560 = tpu.memref_squeeze %dma_wait3A_559 : memref<1x64x128xf32, #tpu.memory_space<vmem>> -> memref<64x128xf32, #tpu.memory_space<vmem>>
      %dma_wait3A_561 = arith.constant 0 : i32
      %dma_wait3A_562 = tpu.memref_slice %arg5[%add3A_555, %dma_wait3A_561] : memref<100x64xi32, #tpu.memory_space<vmem>> -> memref<1x64xi32, #tpu.memory_space<vmem>>
      %dma_wait3A_563 = tpu.memref_squeeze %dma_wait3A_562 : memref<1x64xi32, #tpu.memory_space<vmem>> -> memref<64xi32, #tpu.memory_space<vmem>>
      %dma_wait3A_564 = arith.constant 0 : i32
      %dma_wait3A_565 = arith.constant 0 : i32
      %dma_wait3A_566 = tpu.memref_slice %arg2[%dma_wait3A_564, %dma_wait3A_565] : memref<100001x128xf32, #tpu.memory_space<hbm>> -> memref<100001x128xf32, #tpu.memory_space<hbm>>
      tpu.wait_indirect_dma semaphore(%arg7 : memref<!tpu.dma_semaphore, #tpu.memory_space<semaphore_mem>>) src(%dma_wait3A_566 : memref<100001x128xf32, #tpu.memory_space<hbm>>) dst(%dma_wait3A_560 : memref<64x128xf32, #tpu.memory_space<vmem>>)
      %add3A_567 = arith.constant 0 : i32
      %add3A_568 = arith.addi %mul3A_553, %add3A_567 : i32
      %mul3A_569 = arith.constant 64 : i32
      %mul3A_570 = arith.muli %add3A_568, %mul3A_569 : i32
      %add3A_571 = arith.addi %mul3A_4, %mul3A_570 : i32
      %dma_start3A_572 = arith.constant 0 : i32
      %dma_start3A_573 = arith.constant 0 : i32
      %dma_start3A_574 = arith.constant 0 : i32
      %dma_start3A_575 = tpu.memref_slice %arg6[%dma_start3A_572, %dma_start3A_573, %dma_start3A_574] : memref<10x64x128xf32, #tpu.memory_space<vmem>> -> memref<1x64x128xf32, #tpu.memory_space<vmem>>
      %dma_start3A_576 = tpu.memref_squeeze %dma_start3A_575 : memref<1x64x128xf32, #tpu.memory_space<vmem>> -> memref<64x128xf32, #tpu.memory_space<vmem>>
      %dma_start3A_577 = arith.constant 0 : i32
      %dma_start3A_578 = tpu.memref_slice %arg4[%add3A_571, %dma_start3A_577] : memref<204800x128xf32, #tpu.memory_space<hbm>> -> memref<64x128xf32, #tpu.memory_space<hbm>>
      %dma_start3A_579 = arith.constant 0 : i32
      %dma_start3A_580 = tpu.memref_slice %arg4[%add3A_571, %dma_start3A_579] : memref<204800x128xf32, #tpu.memory_space<hbm>> -> memref<64x128xf32, #tpu.memory_space<hbm>>
      %dma_start3A_581 = arith.constant 0 : i32
      %dma_start3A_582 = arith.constant 0 : i32
      %dma_start3A_583 = tpu.memref_slice %arg6[%dma_start3A_572, %dma_start3A_581, %dma_start3A_582] : memref<10x64x128xf32, #tpu.memory_space<vmem>> -> memref<1x64x128xf32, #tpu.memory_space<vmem>>
      %dma_start3A_584 = tpu.memref_squeeze %dma_start3A_583 : memref<1x64x128xf32, #tpu.memory_space<vmem>> -> memref<64x128xf32, #tpu.memory_space<vmem>>
      tpu.enqueue_dma source(%dma_start3A_584 : memref<64x128xf32, #tpu.memory_space<vmem>>) target(%dma_start3A_580 : memref<64x128xf32, #tpu.memory_space<hbm>>) target_semaphore(%arg17 : memref<!tpu.dma_semaphore, #tpu.memory_space<semaphore_mem>>)
      %add3A_585 = arith.constant 1 : i32
      %add3A_586 = arith.addi %mul3A_553, %add3A_585 : i32
      %dma_wait3A_587 = arith.constant 1 : i32
      %dma_wait3A_588 = arith.constant 0 : i32
      %dma_wait3A_589 = arith.constant 0 : i32
      %dma_wait3A_590 = tpu.memref_slice %arg6[%dma_wait3A_587, %dma_wait3A_588, %dma_wait3A_589] : memref<10x64x128xf32, #tpu.memory_space<vmem>> -> memref<1x64x128xf32, #tpu.memory_space<vmem>>
      %dma_wait3A_591 = tpu.memref_squeeze %dma_wait3A_590 : memref<1x64x128xf32, #tpu.memory_space<vmem>> -> memref<64x128xf32, #tpu.memory_space<vmem>>
      %dma_wait3A_592 = arith.constant 0 : i32
      %dma_wait3A_593 = tpu.memref_slice %arg5[%add3A_586, %dma_wait3A_592] : memref<100x64xi32, #tpu.memory_space<vmem>> -> memref<1x64xi32, #tpu.memory_space<vmem>>
      %dma_wait3A_594 = tpu.memref_squeeze %dma_wait3A_593 : memref<1x64xi32, #tpu.memory_space<vmem>> -> memref<64xi32, #tpu.memory_space<vmem>>
      %dma_wait3A_595 = arith.constant 0 : i32
      %dma_wait3A_596 = arith.constant 0 : i32
      %dma_wait3A_597 = tpu.memref_slice %arg2[%dma_wait3A_595, %dma_wait3A_596] : memref<100001x128xf32, #tpu.memory_space<hbm>> -> memref<100001x128xf32, #tpu.memory_space<hbm>>
      tpu.wait_indirect_dma semaphore(%arg8 : memref<!tpu.dma_semaphore, #tpu.memory_space<semaphore_mem>>) src(%dma_wait3A_597 : memref<100001x128xf32, #tpu.memory_space<hbm>>) dst(%dma_wait3A_591 : memref<64x128xf32, #tpu.memory_space<vmem>>)
      %add3A_598 = arith.constant 1 : i32
      %add3A_599 = arith.addi %mul3A_553, %add3A_598 : i32
      %mul3A_600 = arith.constant 64 : i32
      %mul3A_601 = arith.muli %add3A_599, %mul3A_600 : i32
      %add3A_602 = arith.addi %mul3A_4, %mul3A_601 : i32
      %dma_start3A_603 = arith.constant 1 : i32
      %dma_start3A_604 = arith.constant 0 : i32
      %dma_start3A_605 = arith.constant 0 : i32
      %dma_start3A_606 = tpu.memref_slice %arg6[%dma_start3A_603, %dma_start3A_604, %dma_start3A_605] : memref<10x64x128xf32, #tpu.memory_space<vmem>> -> memref<1x64x128xf32, #tpu.memory_space<vmem>>
      %dma_start3A_607 = tpu.memref_squeeze %dma_start3A_606 : memref<1x64x128xf32, #tpu.memory_space<vmem>> -> memref<64x128xf32, #tpu.memory_space<vmem>>
      %dma_start3A_608 = arith.constant 0 : i32
      %dma_start3A_609 = tpu.memref_slice %arg4[%add3A_602, %dma_start3A_608] : memref<204800x128xf32, #tpu.memory_space<hbm>> -> memref<64x128xf32, #tpu.memory_space<hbm>>
      %dma_start3A_610 = arith.constant 0 : i32
      %dma_start3A_611 = tpu.memref_slice %arg4[%add3A_602, %dma_start3A_610] : memref<204800x128xf32, #tpu.memory_space<hbm>> -> memref<64x128xf32, #tpu.memory_space<hbm>>
      %dma_start3A_612 = arith.constant 0 : i32
      %dma_start3A_613 = arith.constant 0 : i32
      %dma_start3A_614 = tpu.memref_slice %arg6[%dma_start3A_603, %dma_start3A_612, %dma_start3A_613] : memref<10x64x128xf32, #tpu.memory_space<vmem>> -> memref<1x64x128xf32, #tpu.memory_space<vmem>>
      %dma_start3A_615 = tpu.memref_squeeze %dma_start3A_614 : memref<1x64x128xf32, #tpu.memory_space<vmem>> -> memref<64x128xf32, #tpu.memory_space<vmem>>
      tpu.enqueue_dma source(%dma_start3A_615 : memref<64x128xf32, #tpu.memory_space<vmem>>) target(%dma_start3A_611 : memref<64x128xf32, #tpu.memory_space<hbm>>) target_semaphore(%arg18 : memref<!tpu.dma_semaphore, #tpu.memory_space<semaphore_mem>>)
      %add3A_616 = arith.constant 2 : i32
      %add3A_617 = arith.addi %mul3A_553, %add3A_616 : i32
      %dma_wait3A_618 = arith.constant 2 : i32
      %dma_wait3A_619 = arith.constant 0 : i32
      %dma_wait3A_620 = arith.constant 0 : i32
      %dma_wait3A_621 = tpu.memref_slice %arg6[%dma_wait3A_618, %dma_wait3A_619, %dma_wait3A_620] : memref<10x64x128xf32, #tpu.memory_space<vmem>> -> memref<1x64x128xf32, #tpu.memory_space<vmem>>
      %dma_wait3A_622 = tpu.memref_squeeze %dma_wait3A_621 : memref<1x64x128xf32, #tpu.memory_space<vmem>> -> memref<64x128xf32, #tpu.memory_space<vmem>>
      %dma_wait3A_623 = arith.constant 0 : i32
      %dma_wait3A_624 = tpu.memref_slice %arg5[%add3A_617, %dma_wait3A_623] : memref<100x64xi32, #tpu.memory_space<vmem>> -> memref<1x64xi32, #tpu.memory_space<vmem>>
      %dma_wait3A_625 = tpu.memref_squeeze %dma_wait3A_624 : memref<1x64xi32, #tpu.memory_space<vmem>> -> memref<64xi32, #tpu.memory_space<vmem>>
      %dma_wait3A_626 = arith.constant 0 : i32
      %dma_wait3A_627 = arith.constant 0 : i32
      %dma_wait3A_628 = tpu.memref_slice %arg2[%dma_wait3A_626, %dma_wait3A_627] : memref<100001x128xf32, #tpu.memory_space<hbm>> -> memref<100001x128xf32, #tpu.memory_space<hbm>>
      tpu.wait_indirect_dma semaphore(%arg9 : memref<!tpu.dma_semaphore, #tpu.memory_space<semaphore_mem>>) src(%dma_wait3A_628 : memref<100001x128xf32, #tpu.memory_space<hbm>>) dst(%dma_wait3A_622 : memref<64x128xf32, #tpu.memory_space<vmem>>)
      %add3A_629 = arith.constant 2 : i32
      %add3A_630 = arith.addi %mul3A_553, %add3A_629 : i32
      %mul3A_631 = arith.constant 64 : i32
      %mul3A_632 = arith.muli %add3A_630, %mul3A_631 : i32
      %add3A_633 = arith.addi %mul3A_4, %mul3A_632 : i32
      %dma_start3A_634 = arith.constant 2 : i32
      %dma_start3A_635 = arith.constant 0 : i32
      %dma_start3A_636 = arith.constant 0 : i32
      %dma_start3A_637 = tpu.memref_slice %arg6[%dma_start3A_634, %dma_start3A_635, %dma_start3A_636] : memref<10x64x128xf32, #tpu.memory_space<vmem>> -> memref<1x64x128xf32, #tpu.memory_space<vmem>>
      %dma_start3A_638 = tpu.memref_squeeze %dma_start3A_637 : memref<1x64x128xf32, #tpu.memory_space<vmem>> -> memref<64x128xf32, #tpu.memory_space<vmem>>
      %dma_start3A_639 = arith.constant 0 : i32
      %dma_start3A_640 = tpu.memref_slice %arg4[%add3A_633, %dma_start3A_639] : memref<204800x128xf32, #tpu.memory_space<hbm>> -> memref<64x128xf32, #tpu.memory_space<hbm>>
      %dma_start3A_641 = arith.constant 0 : i32
      %dma_start3A_642 = tpu.memref_slice %arg4[%add3A_633, %dma_start3A_641] : memref<204800x128xf32, #tpu.memory_space<hbm>> -> memref<64x128xf32, #tpu.memory_space<hbm>>
      %dma_start3A_643 = arith.constant 0 : i32
      %dma_start3A_644 = arith.constant 0 : i32
      %dma_start3A_645 = tpu.memref_slice %arg6[%dma_start3A_634, %dma_start3A_643, %dma_start3A_644] : memref<10x64x128xf32, #tpu.memory_space<vmem>> -> memref<1x64x128xf32, #tpu.memory_space<vmem>>
      %dma_start3A_646 = tpu.memref_squeeze %dma_start3A_645 : memref<1x64x128xf32, #tpu.memory_space<vmem>> -> memref<64x128xf32, #tpu.memory_space<vmem>>
      tpu.enqueue_dma source(%dma_start3A_646 : memref<64x128xf32, #tpu.memory_space<vmem>>) target(%dma_start3A_642 : memref<64x128xf32, #tpu.memory_space<hbm>>) target_semaphore(%arg19 : memref<!tpu.dma_semaphore, #tpu.memory_space<semaphore_mem>>)
      %add3A_647 = arith.constant 3 : i32
      %add3A_648 = arith.addi %mul3A_553, %add3A_647 : i32
      %dma_wait3A_649 = arith.constant 3 : i32
      %dma_wait3A_650 = arith.constant 0 : i32
      %dma_wait3A_651 = arith.constant 0 : i32
      %dma_wait3A_652 = tpu.memref_slice %arg6[%dma_wait3A_649, %dma_wait3A_650, %dma_wait3A_651] : memref<10x64x128xf32, #tpu.memory_space<vmem>> -> memref<1x64x128xf32, #tpu.memory_space<vmem>>
      %dma_wait3A_653 = tpu.memref_squeeze %dma_wait3A_652 : memref<1x64x128xf32, #tpu.memory_space<vmem>> -> memref<64x128xf32, #tpu.memory_space<vmem>>
      %dma_wait3A_654 = arith.constant 0 : i32
      %dma_wait3A_655 = tpu.memref_slice %arg5[%add3A_648, %dma_wait3A_654] : memref<100x64xi32, #tpu.memory_space<vmem>> -> memref<1x64xi32, #tpu.memory_space<vmem>>
      %dma_wait3A_656 = tpu.memref_squeeze %dma_wait3A_655 : memref<1x64xi32, #tpu.memory_space<vmem>> -> memref<64xi32, #tpu.memory_space<vmem>>
      %dma_wait3A_657 = arith.constant 0 : i32
      %dma_wait3A_658 = arith.constant 0 : i32
      %dma_wait3A_659 = tpu.memref_slice %arg2[%dma_wait3A_657, %dma_wait3A_658] : memref<100001x128xf32, #tpu.memory_space<hbm>> -> memref<100001x128xf32, #tpu.memory_space<hbm>>
      tpu.wait_indirect_dma semaphore(%arg10 : memref<!tpu.dma_semaphore, #tpu.memory_space<semaphore_mem>>) src(%dma_wait3A_659 : memref<100001x128xf32, #tpu.memory_space<hbm>>) dst(%dma_wait3A_653 : memref<64x128xf32, #tpu.memory_space<vmem>>)
      %add3A_660 = arith.constant 3 : i32
      %add3A_661 = arith.addi %mul3A_553, %add3A_660 : i32
      %mul3A_662 = arith.constant 64 : i32
      %mul3A_663 = arith.muli %add3A_661, %mul3A_662 : i32
      %add3A_664 = arith.addi %mul3A_4, %mul3A_663 : i32
      %dma_start3A_665 = arith.constant 3 : i32
      %dma_start3A_666 = arith.constant 0 : i32
      %dma_start3A_667 = arith.constant 0 : i32
      %dma_start3A_668 = tpu.memref_slice %arg6[%dma_start3A_665, %dma_start3A_666, %dma_start3A_667] : memref<10x64x128xf32, #tpu.memory_space<vmem>> -> memref<1x64x128xf32, #tpu.memory_space<vmem>>
      %dma_start3A_669 = tpu.memref_squeeze %dma_start3A_668 : memref<1x64x128xf32, #tpu.memory_space<vmem>> -> memref<64x128xf32, #tpu.memory_space<vmem>>
      %dma_start3A_670 = arith.constant 0 : i32
      %dma_start3A_671 = tpu.memref_slice %arg4[%add3A_664, %dma_start3A_670] : memref<204800x128xf32, #tpu.memory_space<hbm>> -> memref<64x128xf32, #tpu.memory_space<hbm>>
      %dma_start3A_672 = arith.constant 0 : i32
      %dma_start3A_673 = tpu.memref_slice %arg4[%add3A_664, %dma_start3A_672] : memref<204800x128xf32, #tpu.memory_space<hbm>> -> memref<64x128xf32, #tpu.memory_space<hbm>>
      %dma_start3A_674 = arith.constant 0 : i32
      %dma_start3A_675 = arith.constant 0 : i32
      %dma_start3A_676 = tpu.memref_slice %arg6[%dma_start3A_665, %dma_start3A_674, %dma_start3A_675] : memref<10x64x128xf32, #tpu.memory_space<vmem>> -> memref<1x64x128xf32, #tpu.memory_space<vmem>>
      %dma_start3A_677 = tpu.memref_squeeze %dma_start3A_676 : memref<1x64x128xf32, #tpu.memory_space<vmem>> -> memref<64x128xf32, #tpu.memory_space<vmem>>
      tpu.enqueue_dma source(%dma_start3A_677 : memref<64x128xf32, #tpu.memory_space<vmem>>) target(%dma_start3A_673 : memref<64x128xf32, #tpu.memory_space<hbm>>) target_semaphore(%arg20 : memref<!tpu.dma_semaphore, #tpu.memory_space<semaphore_mem>>)
      %add3A_678 = arith.constant 4 : i32
      %add3A_679 = arith.addi %mul3A_553, %add3A_678 : i32
      %dma_wait3A_680 = arith.constant 4 : i32
      %dma_wait3A_681 = arith.constant 0 : i32
      %dma_wait3A_682 = arith.constant 0 : i32
      %dma_wait3A_683 = tpu.memref_slice %arg6[%dma_wait3A_680, %dma_wait3A_681, %dma_wait3A_682] : memref<10x64x128xf32, #tpu.memory_space<vmem>> -> memref<1x64x128xf32, #tpu.memory_space<vmem>>
      %dma_wait3A_684 = tpu.memref_squeeze %dma_wait3A_683 : memref<1x64x128xf32, #tpu.memory_space<vmem>> -> memref<64x128xf32, #tpu.memory_space<vmem>>
      %dma_wait3A_685 = arith.constant 0 : i32
      %dma_wait3A_686 = tpu.memref_slice %arg5[%add3A_679, %dma_wait3A_685] : memref<100x64xi32, #tpu.memory_space<vmem>> -> memref<1x64xi32, #tpu.memory_space<vmem>>
      %dma_wait3A_687 = tpu.memref_squeeze %dma_wait3A_686 : memref<1x64xi32, #tpu.memory_space<vmem>> -> memref<64xi32, #tpu.memory_space<vmem>>
      %dma_wait3A_688 = arith.constant 0 : i32
      %dma_wait3A_689 = arith.constant 0 : i32
      %dma_wait3A_690 = tpu.memref_slice %arg2[%dma_wait3A_688, %dma_wait3A_689] : memref<100001x128xf32, #tpu.memory_space<hbm>> -> memref<100001x128xf32, #tpu.memory_space<hbm>>
      tpu.wait_indirect_dma semaphore(%arg11 : memref<!tpu.dma_semaphore, #tpu.memory_space<semaphore_mem>>) src(%dma_wait3A_690 : memref<100001x128xf32, #tpu.memory_space<hbm>>) dst(%dma_wait3A_684 : memref<64x128xf32, #tpu.memory_space<vmem>>)
      %add3A_691 = arith.constant 4 : i32
      %add3A_692 = arith.addi %mul3A_553, %add3A_691 : i32
      %mul3A_693 = arith.constant 64 : i32
      %mul3A_694 = arith.muli %add3A_692, %mul3A_693 : i32
      %add3A_695 = arith.addi %mul3A_4, %mul3A_694 : i32
      %dma_start3A_696 = arith.constant 4 : i32
      %dma_start3A_697 = arith.constant 0 : i32
      %dma_start3A_698 = arith.constant 0 : i32
      %dma_start3A_699 = tpu.memref_slice %arg6[%dma_start3A_696, %dma_start3A_697, %dma_start3A_698] : memref<10x64x128xf32, #tpu.memory_space<vmem>> -> memref<1x64x128xf32, #tpu.memory_space<vmem>>
      %dma_start3A_700 = tpu.memref_squeeze %dma_start3A_699 : memref<1x64x128xf32, #tpu.memory_space<vmem>> -> memref<64x128xf32, #tpu.memory_space<vmem>>
      %dma_start3A_701 = arith.constant 0 : i32
      %dma_start3A_702 = tpu.memref_slice %arg4[%add3A_695, %dma_start3A_701] : memref<204800x128xf32, #tpu.memory_space<hbm>> -> memref<64x128xf32, #tpu.memory_space<hbm>>
      %dma_start3A_703 = arith.constant 0 : i32
      %dma_start3A_704 = tpu.memref_slice %arg4[%add3A_695, %dma_start3A_703] : memref<204800x128xf32, #tpu.memory_space<hbm>> -> memref<64x128xf32, #tpu.memory_space<hbm>>
      %dma_start3A_705 = arith.constant 0 : i32
      %dma_start3A_706 = arith.constant 0 : i32
      %dma_start3A_707 = tpu.memref_slice %arg6[%dma_start3A_696, %dma_start3A_705, %dma_start3A_706] : memref<10x64x128xf32, #tpu.memory_space<vmem>> -> memref<1x64x128xf32, #tpu.memory_space<vmem>>
      %dma_start3A_708 = tpu.memref_squeeze %dma_start3A_707 : memref<1x64x128xf32, #tpu.memory_space<vmem>> -> memref<64x128xf32, #tpu.memory_space<vmem>>
      tpu.enqueue_dma source(%dma_start3A_708 : memref<64x128xf32, #tpu.memory_space<vmem>>) target(%dma_start3A_704 : memref<64x128xf32, #tpu.memory_space<hbm>>) target_semaphore(%arg21 : memref<!tpu.dma_semaphore, #tpu.memory_space<semaphore_mem>>)
      %add3A_709 = arith.constant 5 : i32
      %add3A_710 = arith.addi %mul3A_553, %add3A_709 : i32
      %dma_wait3A_711 = arith.constant 5 : i32
      %dma_wait3A_712 = arith.constant 0 : i32
      %dma_wait3A_713 = arith.constant 0 : i32
      %dma_wait3A_714 = tpu.memref_slice %arg6[%dma_wait3A_711, %dma_wait3A_712, %dma_wait3A_713] : memref<10x64x128xf32, #tpu.memory_space<vmem>> -> memref<1x64x128xf32, #tpu.memory_space<vmem>>
      %dma_wait3A_715 = tpu.memref_squeeze %dma_wait3A_714 : memref<1x64x128xf32, #tpu.memory_space<vmem>> -> memref<64x128xf32, #tpu.memory_space<vmem>>
      %dma_wait3A_716 = arith.constant 0 : i32
      %dma_wait3A_717 = tpu.memref_slice %arg5[%add3A_710, %dma_wait3A_716] : memref<100x64xi32, #tpu.memory_space<vmem>> -> memref<1x64xi32, #tpu.memory_space<vmem>>
      %dma_wait3A_718 = tpu.memref_squeeze %dma_wait3A_717 : memref<1x64xi32, #tpu.memory_space<vmem>> -> memref<64xi32, #tpu.memory_space<vmem>>
      %dma_wait3A_719 = arith.constant 0 : i32
      %dma_wait3A_720 = arith.constant 0 : i32
      %dma_wait3A_721 = tpu.memref_slice %arg2[%dma_wait3A_719, %dma_wait3A_720] : memref<100001x128xf32, #tpu.memory_space<hbm>> -> memref<100001x128xf32, #tpu.memory_space<hbm>>
      tpu.wait_indirect_dma semaphore(%arg12 : memref<!tpu.dma_semaphore, #tpu.memory_space<semaphore_mem>>) src(%dma_wait3A_721 : memref<100001x128xf32, #tpu.memory_space<hbm>>) dst(%dma_wait3A_715 : memref<64x128xf32, #tpu.memory_space<vmem>>)
      %add3A_722 = arith.constant 5 : i32
      %add3A_723 = arith.addi %mul3A_553, %add3A_722 : i32
      %mul3A_724 = arith.constant 64 : i32
      %mul3A_725 = arith.muli %add3A_723, %mul3A_724 : i32
      %add3A_726 = arith.addi %mul3A_4, %mul3A_725 : i32
      %dma_start3A_727 = arith.constant 5 : i32
      %dma_start3A_728 = arith.constant 0 : i32
      %dma_start3A_729 = arith.constant 0 : i32
      %dma_start3A_730 = tpu.memref_slice %arg6[%dma_start3A_727, %dma_start3A_728, %dma_start3A_729] : memref<10x64x128xf32, #tpu.memory_space<vmem>> -> memref<1x64x128xf32, #tpu.memory_space<vmem>>
      %dma_start3A_731 = tpu.memref_squeeze %dma_start3A_730 : memref<1x64x128xf32, #tpu.memory_space<vmem>> -> memref<64x128xf32, #tpu.memory_space<vmem>>
      %dma_start3A_732 = arith.constant 0 : i32
      %dma_start3A_733 = tpu.memref_slice %arg4[%add3A_726, %dma_start3A_732] : memref<204800x128xf32, #tpu.memory_space<hbm>> -> memref<64x128xf32, #tpu.memory_space<hbm>>
      %dma_start3A_734 = arith.constant 0 : i32
      %dma_start3A_735 = tpu.memref_slice %arg4[%add3A_726, %dma_start3A_734] : memref<204800x128xf32, #tpu.memory_space<hbm>> -> memref<64x128xf32, #tpu.memory_space<hbm>>
      %dma_start3A_736 = arith.constant 0 : i32
      %dma_start3A_737 = arith.constant 0 : i32
      %dma_start3A_738 = tpu.memref_slice %arg6[%dma_start3A_727, %dma_start3A_736, %dma_start3A_737] : memref<10x64x128xf32, #tpu.memory_space<vmem>> -> memref<1x64x128xf32, #tpu.memory_space<vmem>>
      %dma_start3A_739 = tpu.memref_squeeze %dma_start3A_738 : memref<1x64x128xf32, #tpu.memory_space<vmem>> -> memref<64x128xf32, #tpu.memory_space<vmem>>
      tpu.enqueue_dma source(%dma_start3A_739 : memref<64x128xf32, #tpu.memory_space<vmem>>) target(%dma_start3A_735 : memref<64x128xf32, #tpu.memory_space<hbm>>) target_semaphore(%arg22 : memref<!tpu.dma_semaphore, #tpu.memory_space<semaphore_mem>>)
      %add3A_740 = arith.constant 6 : i32
      %add3A_741 = arith.addi %mul3A_553, %add3A_740 : i32
      %dma_wait3A_742 = arith.constant 6 : i32
      %dma_wait3A_743 = arith.constant 0 : i32
      %dma_wait3A_744 = arith.constant 0 : i32
      %dma_wait3A_745 = tpu.memref_slice %arg6[%dma_wait3A_742, %dma_wait3A_743, %dma_wait3A_744] : memref<10x64x128xf32, #tpu.memory_space<vmem>> -> memref<1x64x128xf32, #tpu.memory_space<vmem>>
      %dma_wait3A_746 = tpu.memref_squeeze %dma_wait3A_745 : memref<1x64x128xf32, #tpu.memory_space<vmem>> -> memref<64x128xf32, #tpu.memory_space<vmem>>
      %dma_wait3A_747 = arith.constant 0 : i32
      %dma_wait3A_748 = tpu.memref_slice %arg5[%add3A_741, %dma_wait3A_747] : memref<100x64xi32, #tpu.memory_space<vmem>> -> memref<1x64xi32, #tpu.memory_space<vmem>>
      %dma_wait3A_749 = tpu.memref_squeeze %dma_wait3A_748 : memref<1x64xi32, #tpu.memory_space<vmem>> -> memref<64xi32, #tpu.memory_space<vmem>>
      %dma_wait3A_750 = arith.constant 0 : i32
      %dma_wait3A_751 = arith.constant 0 : i32
      %dma_wait3A_752 = tpu.memref_slice %arg2[%dma_wait3A_750, %dma_wait3A_751] : memref<100001x128xf32, #tpu.memory_space<hbm>> -> memref<100001x128xf32, #tpu.memory_space<hbm>>
      tpu.wait_indirect_dma semaphore(%arg13 : memref<!tpu.dma_semaphore, #tpu.memory_space<semaphore_mem>>) src(%dma_wait3A_752 : memref<100001x128xf32, #tpu.memory_space<hbm>>) dst(%dma_wait3A_746 : memref<64x128xf32, #tpu.memory_space<vmem>>)
      %add3A_753 = arith.constant 6 : i32
      %add3A_754 = arith.addi %mul3A_553, %add3A_753 : i32
      %mul3A_755 = arith.constant 64 : i32
      %mul3A_756 = arith.muli %add3A_754, %mul3A_755 : i32
      %add3A_757 = arith.addi %mul3A_4, %mul3A_756 : i32
      %dma_start3A_758 = arith.constant 6 : i32
      %dma_start3A_759 = arith.constant 0 : i32
      %dma_start3A_760 = arith.constant 0 : i32
      %dma_start3A_761 = tpu.memref_slice %arg6[%dma_start3A_758, %dma_start3A_759, %dma_start3A_760] : memref<10x64x128xf32, #tpu.memory_space<vmem>> -> memref<1x64x128xf32, #tpu.memory_space<vmem>>
      %dma_start3A_762 = tpu.memref_squeeze %dma_start3A_761 : memref<1x64x128xf32, #tpu.memory_space<vmem>> -> memref<64x128xf32, #tpu.memory_space<vmem>>
      %dma_start3A_763 = arith.constant 0 : i32
      %dma_start3A_764 = tpu.memref_slice %arg4[%add3A_757, %dma_start3A_763] : memref<204800x128xf32, #tpu.memory_space<hbm>> -> memref<64x128xf32, #tpu.memory_space<hbm>>
      %dma_start3A_765 = arith.constant 0 : i32
      %dma_start3A_766 = tpu.memref_slice %arg4[%add3A_757, %dma_start3A_765] : memref<204800x128xf32, #tpu.memory_space<hbm>> -> memref<64x128xf32, #tpu.memory_space<hbm>>
      %dma_start3A_767 = arith.constant 0 : i32
      %dma_start3A_768 = arith.constant 0 : i32
      %dma_start3A_769 = tpu.memref_slice %arg6[%dma_start3A_758, %dma_start3A_767, %dma_start3A_768] : memref<10x64x128xf32, #tpu.memory_space<vmem>> -> memref<1x64x128xf32, #tpu.memory_space<vmem>>
      %dma_start3A_770 = tpu.memref_squeeze %dma_start3A_769 : memref<1x64x128xf32, #tpu.memory_space<vmem>> -> memref<64x128xf32, #tpu.memory_space<vmem>>
      tpu.enqueue_dma source(%dma_start3A_770 : memref<64x128xf32, #tpu.memory_space<vmem>>) target(%dma_start3A_766 : memref<64x128xf32, #tpu.memory_space<hbm>>) target_semaphore(%arg23 : memref<!tpu.dma_semaphore, #tpu.memory_space<semaphore_mem>>)
      %add3A_771 = arith.constant 7 : i32
      %add3A_772 = arith.addi %mul3A_553, %add3A_771 : i32
      %dma_wait3A_773 = arith.constant 7 : i32
      %dma_wait3A_774 = arith.constant 0 : i32
      %dma_wait3A_775 = arith.constant 0 : i32
      %dma_wait3A_776 = tpu.memref_slice %arg6[%dma_wait3A_773, %dma_wait3A_774, %dma_wait3A_775] : memref<10x64x128xf32, #tpu.memory_space<vmem>> -> memref<1x64x128xf32, #tpu.memory_space<vmem>>
      %dma_wait3A_777 = tpu.memref_squeeze %dma_wait3A_776 : memref<1x64x128xf32, #tpu.memory_space<vmem>> -> memref<64x128xf32, #tpu.memory_space<vmem>>
      %dma_wait3A_778 = arith.constant 0 : i32
      %dma_wait3A_779 = tpu.memref_slice %arg5[%add3A_772, %dma_wait3A_778] : memref<100x64xi32, #tpu.memory_space<vmem>> -> memref<1x64xi32, #tpu.memory_space<vmem>>
      %dma_wait3A_780 = tpu.memref_squeeze %dma_wait3A_779 : memref<1x64xi32, #tpu.memory_space<vmem>> -> memref<64xi32, #tpu.memory_space<vmem>>
      %dma_wait3A_781 = arith.constant 0 : i32
      %dma_wait3A_782 = arith.constant 0 : i32
      %dma_wait3A_783 = tpu.memref_slice %arg2[%dma_wait3A_781, %dma_wait3A_782] : memref<100001x128xf32, #tpu.memory_space<hbm>> -> memref<100001x128xf32, #tpu.memory_space<hbm>>
      tpu.wait_indirect_dma semaphore(%arg14 : memref<!tpu.dma_semaphore, #tpu.memory_space<semaphore_mem>>) src(%dma_wait3A_783 : memref<100001x128xf32, #tpu.memory_space<hbm>>) dst(%dma_wait3A_777 : memref<64x128xf32, #tpu.memory_space<vmem>>)
      %add3A_784 = arith.constant 7 : i32
      %add3A_785 = arith.addi %mul3A_553, %add3A_784 : i32
      %mul3A_786 = arith.constant 64 : i32
      %mul3A_787 = arith.muli %add3A_785, %mul3A_786 : i32
      %add3A_788 = arith.addi %mul3A_4, %mul3A_787 : i32
      %dma_start3A_789 = arith.constant 7 : i32
      %dma_start3A_790 = arith.constant 0 : i32
      %dma_start3A_791 = arith.constant 0 : i32
      %dma_start3A_792 = tpu.memref_slice %arg6[%dma_start3A_789, %dma_start3A_790, %dma_start3A_791] : memref<10x64x128xf32, #tpu.memory_space<vmem>> -> memref<1x64x128xf32, #tpu.memory_space<vmem>>
      %dma_start3A_793 = tpu.memref_squeeze %dma_start3A_792 : memref<1x64x128xf32, #tpu.memory_space<vmem>> -> memref<64x128xf32, #tpu.memory_space<vmem>>
      %dma_start3A_794 = arith.constant 0 : i32
      %dma_start3A_795 = tpu.memref_slice %arg4[%add3A_788, %dma_start3A_794] : memref<204800x128xf32, #tpu.memory_space<hbm>> -> memref<64x128xf32, #tpu.memory_space<hbm>>
      %dma_start3A_796 = arith.constant 0 : i32
      %dma_start3A_797 = tpu.memref_slice %arg4[%add3A_788, %dma_start3A_796] : memref<204800x128xf32, #tpu.memory_space<hbm>> -> memref<64x128xf32, #tpu.memory_space<hbm>>
      %dma_start3A_798 = arith.constant 0 : i32
      %dma_start3A_799 = arith.constant 0 : i32
      %dma_start3A_800 = tpu.memref_slice %arg6[%dma_start3A_789, %dma_start3A_798, %dma_start3A_799] : memref<10x64x128xf32, #tpu.memory_space<vmem>> -> memref<1x64x128xf32, #tpu.memory_space<vmem>>
      %dma_start3A_801 = tpu.memref_squeeze %dma_start3A_800 : memref<1x64x128xf32, #tpu.memory_space<vmem>> -> memref<64x128xf32, #tpu.memory_space<vmem>>
      tpu.enqueue_dma source(%dma_start3A_801 : memref<64x128xf32, #tpu.memory_space<vmem>>) target(%dma_start3A_797 : memref<64x128xf32, #tpu.memory_space<hbm>>) target_semaphore(%arg24 : memref<!tpu.dma_semaphore, #tpu.memory_space<semaphore_mem>>)
      %add3A_802 = arith.constant 8 : i32
      %add3A_803 = arith.addi %mul3A_553, %add3A_802 : i32
      %dma_wait3A_804 = arith.constant 8 : i32
      %dma_wait3A_805 = arith.constant 0 : i32
      %dma_wait3A_806 = arith.constant 0 : i32
      %dma_wait3A_807 = tpu.memref_slice %arg6[%dma_wait3A_804, %dma_wait3A_805, %dma_wait3A_806] : memref<10x64x128xf32, #tpu.memory_space<vmem>> -> memref<1x64x128xf32, #tpu.memory_space<vmem>>
      %dma_wait3A_808 = tpu.memref_squeeze %dma_wait3A_807 : memref<1x64x128xf32, #tpu.memory_space<vmem>> -> memref<64x128xf32, #tpu.memory_space<vmem>>
      %dma_wait3A_809 = arith.constant 0 : i32
      %dma_wait3A_810 = tpu.memref_slice %arg5[%add3A_803, %dma_wait3A_809] : memref<100x64xi32, #tpu.memory_space<vmem>> -> memref<1x64xi32, #tpu.memory_space<vmem>>
      %dma_wait3A_811 = tpu.memref_squeeze %dma_wait3A_810 : memref<1x64xi32, #tpu.memory_space<vmem>> -> memref<64xi32, #tpu.memory_space<vmem>>
      %dma_wait3A_812 = arith.constant 0 : i32
      %dma_wait3A_813 = arith.constant 0 : i32
      %dma_wait3A_814 = tpu.memref_slice %arg2[%dma_wait3A_812, %dma_wait3A_813] : memref<100001x128xf32, #tpu.memory_space<hbm>> -> memref<100001x128xf32, #tpu.memory_space<hbm>>
      tpu.wait_indirect_dma semaphore(%arg15 : memref<!tpu.dma_semaphore, #tpu.memory_space<semaphore_mem>>) src(%dma_wait3A_814 : memref<100001x128xf32, #tpu.memory_space<hbm>>) dst(%dma_wait3A_808 : memref<64x128xf32, #tpu.memory_space<vmem>>)
      %add3A_815 = arith.constant 8 : i32
      %add3A_816 = arith.addi %mul3A_553, %add3A_815 : i32
      %mul3A_817 = arith.constant 64 : i32
      %mul3A_818 = arith.muli %add3A_816, %mul3A_817 : i32
      %add3A_819 = arith.addi %mul3A_4, %mul3A_818 : i32
      %dma_start3A_820 = arith.constant 8 : i32
      %dma_start3A_821 = arith.constant 0 : i32
      %dma_start3A_822 = arith.constant 0 : i32
      %dma_start3A_823 = tpu.memref_slice %arg6[%dma_start3A_820, %dma_start3A_821, %dma_start3A_822] : memref<10x64x128xf32, #tpu.memory_space<vmem>> -> memref<1x64x128xf32, #tpu.memory_space<vmem>>
      %dma_start3A_824 = tpu.memref_squeeze %dma_start3A_823 : memref<1x64x128xf32, #tpu.memory_space<vmem>> -> memref<64x128xf32, #tpu.memory_space<vmem>>
      %dma_start3A_825 = arith.constant 0 : i32
      %dma_start3A_826 = tpu.memref_slice %arg4[%add3A_819, %dma_start3A_825] : memref<204800x128xf32, #tpu.memory_space<hbm>> -> memref<64x128xf32, #tpu.memory_space<hbm>>
      %dma_start3A_827 = arith.constant 0 : i32
      %dma_start3A_828 = tpu.memref_slice %arg4[%add3A_819, %dma_start3A_827] : memref<204800x128xf32, #tpu.memory_space<hbm>> -> memref<64x128xf32, #tpu.memory_space<hbm>>
      %dma_start3A_829 = arith.constant 0 : i32
      %dma_start3A_830 = arith.constant 0 : i32
      %dma_start3A_831 = tpu.memref_slice %arg6[%dma_start3A_820, %dma_start3A_829, %dma_start3A_830] : memref<10x64x128xf32, #tpu.memory_space<vmem>> -> memref<1x64x128xf32, #tpu.memory_space<vmem>>
      %dma_start3A_832 = tpu.memref_squeeze %dma_start3A_831 : memref<1x64x128xf32, #tpu.memory_space<vmem>> -> memref<64x128xf32, #tpu.memory_space<vmem>>
      tpu.enqueue_dma source(%dma_start3A_832 : memref<64x128xf32, #tpu.memory_space<vmem>>) target(%dma_start3A_828 : memref<64x128xf32, #tpu.memory_space<hbm>>) target_semaphore(%arg25 : memref<!tpu.dma_semaphore, #tpu.memory_space<semaphore_mem>>)
      %add3A_833 = arith.constant 9 : i32
      %add3A_834 = arith.addi %mul3A_553, %add3A_833 : i32
      %dma_wait3A_835 = arith.constant 9 : i32
      %dma_wait3A_836 = arith.constant 0 : i32
      %dma_wait3A_837 = arith.constant 0 : i32
      %dma_wait3A_838 = tpu.memref_slice %arg6[%dma_wait3A_835, %dma_wait3A_836, %dma_wait3A_837] : memref<10x64x128xf32, #tpu.memory_space<vmem>> -> memref<1x64x128xf32, #tpu.memory_space<vmem>>
      %dma_wait3A_839 = tpu.memref_squeeze %dma_wait3A_838 : memref<1x64x128xf32, #tpu.memory_space<vmem>> -> memref<64x128xf32, #tpu.memory_space<vmem>>
      %dma_wait3A_840 = arith.constant 0 : i32
      %dma_wait3A_841 = tpu.memref_slice %arg5[%add3A_834, %dma_wait3A_840] : memref<100x64xi32, #tpu.memory_space<vmem>> -> memref<1x64xi32, #tpu.memory_space<vmem>>
      %dma_wait3A_842 = tpu.memref_squeeze %dma_wait3A_841 : memref<1x64xi32, #tpu.memory_space<vmem>> -> memref<64xi32, #tpu.memory_space<vmem>>
      %dma_wait3A_843 = arith.constant 0 : i32
      %dma_wait3A_844 = arith.constant 0 : i32
      %dma_wait3A_845 = tpu.memref_slice %arg2[%dma_wait3A_843, %dma_wait3A_844] : memref<100001x128xf32, #tpu.memory_space<hbm>> -> memref<100001x128xf32, #tpu.memory_space<hbm>>
      tpu.wait_indirect_dma semaphore(%arg16 : memref<!tpu.dma_semaphore, #tpu.memory_space<semaphore_mem>>) src(%dma_wait3A_845 : memref<100001x128xf32, #tpu.memory_space<hbm>>) dst(%dma_wait3A_839 : memref<64x128xf32, #tpu.memory_space<vmem>>)
      %add3A_846 = arith.constant 9 : i32
      %add3A_847 = arith.addi %mul3A_553, %add3A_846 : i32
      %mul3A_848 = arith.constant 64 : i32
      %mul3A_849 = arith.muli %add3A_847, %mul3A_848 : i32
      %add3A_850 = arith.addi %mul3A_4, %mul3A_849 : i32
      %dma_start3A_851 = arith.constant 9 : i32
      %dma_start3A_852 = arith.constant 0 : i32
      %dma_start3A_853 = arith.constant 0 : i32
      %dma_start3A_854 = tpu.memref_slice %arg6[%dma_start3A_851, %dma_start3A_852, %dma_start3A_853] : memref<10x64x128xf32, #tpu.memory_space<vmem>> -> memref<1x64x128xf32, #tpu.memory_space<vmem>>
      %dma_start3A_855 = tpu.memref_squeeze %dma_start3A_854 : memref<1x64x128xf32, #tpu.memory_space<vmem>> -> memref<64x128xf32, #tpu.memory_space<vmem>>
      %dma_start3A_856 = arith.constant 0 : i32
      %dma_start3A_857 = tpu.memref_slice %arg4[%add3A_850, %dma_start3A_856] : memref<204800x128xf32, #tpu.memory_space<hbm>> -> memref<64x128xf32, #tpu.memory_space<hbm>>
      %dma_start3A_858 = arith.constant 0 : i32
      %dma_start3A_859 = tpu.memref_slice %arg4[%add3A_850, %dma_start3A_858] : memref<204800x128xf32, #tpu.memory_space<hbm>> -> memref<64x128xf32, #tpu.memory_space<hbm>>
      %dma_start3A_860 = arith.constant 0 : i32
      %dma_start3A_861 = arith.constant 0 : i32
      %dma_start3A_862 = tpu.memref_slice %arg6[%dma_start3A_851, %dma_start3A_860, %dma_start3A_861] : memref<10x64x128xf32, #tpu.memory_space<vmem>> -> memref<1x64x128xf32, #tpu.memory_space<vmem>>
      %dma_start3A_863 = tpu.memref_squeeze %dma_start3A_862 : memref<1x64x128xf32, #tpu.memory_space<vmem>> -> memref<64x128xf32, #tpu.memory_space<vmem>>
      tpu.enqueue_dma source(%dma_start3A_863 : memref<64x128xf32, #tpu.memory_space<vmem>>) target(%dma_start3A_859 : memref<64x128xf32, #tpu.memory_space<hbm>>) target_semaphore(%arg26 : memref<!tpu.dma_semaphore, #tpu.memory_space<semaphore_mem>>)
      %add3A_864 = arith.constant 0 : i32
      %add3A_865 = arith.addi %mul3A_553, %add3A_864 : i32
      %mul3A_866 = arith.constant 64 : i32
      %mul3A_867 = arith.muli %add3A_865, %mul3A_866 : i32
      %add3A_868 = arith.addi %mul3A_4, %mul3A_867 : i32
      %dma_wait3A_869 = arith.constant 0 : i32
      %dma_wait3A_870 = arith.constant 0 : i32
      %dma_wait3A_871 = arith.constant 0 : i32
      %dma_wait3A_872 = tpu.memref_slice %arg6[%dma_wait3A_869, %dma_wait3A_870, %dma_wait3A_871] : memref<10x64x128xf32, #tpu.memory_space<vmem>> -> memref<1x64x128xf32, #tpu.memory_space<vmem>>
      %dma_wait3A_873 = tpu.memref_squeeze %dma_wait3A_872 : memref<1x64x128xf32, #tpu.memory_space<vmem>> -> memref<64x128xf32, #tpu.memory_space<vmem>>
      %dma_wait3A_874 = arith.constant 0 : i32
      %dma_wait3A_875 = tpu.memref_slice %arg4[%add3A_868, %dma_wait3A_874] : memref<204800x128xf32, #tpu.memory_space<hbm>> -> memref<64x128xf32, #tpu.memory_space<hbm>>
      %dma_wait3A_876 = arith.constant 0 : i32
      %dma_wait3A_877 = tpu.memref_slice %arg4[%add3A_868, %dma_wait3A_876] : memref<204800x128xf32, #tpu.memory_space<hbm>> -> memref<64x128xf32, #tpu.memory_space<hbm>>
      %dma_wait3A_878 = arith.constant 0 : i32
      %dma_wait3A_879 = arith.constant 0 : i32
      %dma_wait3A_880 = tpu.memref_slice %arg6[%dma_wait3A_869, %dma_wait3A_878, %dma_wait3A_879] : memref<10x64x128xf32, #tpu.memory_space<vmem>> -> memref<1x64x128xf32, #tpu.memory_space<vmem>>
      %dma_wait3A_881 = tpu.memref_squeeze %dma_wait3A_880 : memref<1x64x128xf32, #tpu.memory_space<vmem>> -> memref<64x128xf32, #tpu.memory_space<vmem>>
      tpu.wait_dma2 semaphore(%arg17 : memref<!tpu.dma_semaphore, #tpu.memory_space<semaphore_mem>>) src(%dma_wait3A_881 : memref<64x128xf32, #tpu.memory_space<vmem>>) dst(%dma_wait3A_877 : memref<64x128xf32, #tpu.memory_space<hbm>>)
      %add3A_882 = arith.constant 0 : i32
      %add3A_883 = arith.addi %mul3A_553, %add3A_882 : i32
      %add3A_884 = arith.constant 10 : i32
      %add3A_885 = arith.addi %add3A_883, %add3A_884 : i32
      %dma_start3A_886 = arith.constant 0 : i32
      %dma_start3A_887 = arith.constant 0 : i32
      %dma_start3A_888 = arith.constant 0 : i32
      %dma_start3A_889 = tpu.memref_slice %arg6[%dma_start3A_886, %dma_start3A_887, %dma_start3A_888] : memref<10x64x128xf32, #tpu.memory_space<vmem>> -> memref<1x64x128xf32, #tpu.memory_space<vmem>>
      %dma_start3A_890 = tpu.memref_squeeze %dma_start3A_889 : memref<1x64x128xf32, #tpu.memory_space<vmem>> -> memref<64x128xf32, #tpu.memory_space<vmem>>
      %dma_start3A_891 = arith.constant 0 : i32
      %dma_start3A_892 = tpu.memref_slice %arg5[%add3A_885, %dma_start3A_891] : memref<100x64xi32, #tpu.memory_space<vmem>> -> memref<1x64xi32, #tpu.memory_space<vmem>>
      %dma_start3A_893 = tpu.memref_squeeze %dma_start3A_892 : memref<1x64xi32, #tpu.memory_space<vmem>> -> memref<64xi32, #tpu.memory_space<vmem>>
      %dma_start3A_894 = arith.constant 0 : i32
      %dma_start3A_895 = arith.constant 0 : i32
      %dma_start3A_896 = tpu.memref_slice %arg2[%dma_start3A_894, %dma_start3A_895] : memref<100001x128xf32, #tpu.memory_space<hbm>> -> memref<100001x128xf32, #tpu.memory_space<hbm>>
      tpu.enqueue_indirect_dma source(%dma_start3A_896 : memref<100001x128xf32, #tpu.memory_space<hbm>>) target(%dma_start3A_890 : memref<64x128xf32, #tpu.memory_space<vmem>>) offsets(%dma_start3A_893 : memref<64xi32, #tpu.memory_space<vmem>>) semaphore(%arg7 : memref<!tpu.dma_semaphore, #tpu.memory_space<semaphore_mem>>)
      %add3A_897 = arith.constant 1 : i32
      %add3A_898 = arith.addi %mul3A_553, %add3A_897 : i32
      %mul3A_899 = arith.constant 64 : i32
      %mul3A_900 = arith.muli %add3A_898, %mul3A_899 : i32
      %add3A_901 = arith.addi %mul3A_4, %mul3A_900 : i32
      %dma_wait3A_902 = arith.constant 1 : i32
      %dma_wait3A_903 = arith.constant 0 : i32
      %dma_wait3A_904 = arith.constant 0 : i32
      %dma_wait3A_905 = tpu.memref_slice %arg6[%dma_wait3A_902, %dma_wait3A_903, %dma_wait3A_904] : memref<10x64x128xf32, #tpu.memory_space<vmem>> -> memref<1x64x128xf32, #tpu.memory_space<vmem>>
      %dma_wait3A_906 = tpu.memref_squeeze %dma_wait3A_905 : memref<1x64x128xf32, #tpu.memory_space<vmem>> -> memref<64x128xf32, #tpu.memory_space<vmem>>
      %dma_wait3A_907 = arith.constant 0 : i32
      %dma_wait3A_908 = tpu.memref_slice %arg4[%add3A_901, %dma_wait3A_907] : memref<204800x128xf32, #tpu.memory_space<hbm>> -> memref<64x128xf32, #tpu.memory_space<hbm>>
      %dma_wait3A_909 = arith.constant 0 : i32
      %dma_wait3A_910 = tpu.memref_slice %arg4[%add3A_901, %dma_wait3A_909] : memref<204800x128xf32, #tpu.memory_space<hbm>> -> memref<64x128xf32, #tpu.memory_space<hbm>>
      %dma_wait3A_911 = arith.constant 0 : i32
      %dma_wait3A_912 = arith.constant 0 : i32
      %dma_wait3A_913 = tpu.memref_slice %arg6[%dma_wait3A_902, %dma_wait3A_911, %dma_wait3A_912] : memref<10x64x128xf32, #tpu.memory_space<vmem>> -> memref<1x64x128xf32, #tpu.memory_space<vmem>>
      %dma_wait3A_914 = tpu.memref_squeeze %dma_wait3A_913 : memref<1x64x128xf32, #tpu.memory_space<vmem>> -> memref<64x128xf32, #tpu.memory_space<vmem>>
      tpu.wait_dma2 semaphore(%arg18 : memref<!tpu.dma_semaphore, #tpu.memory_space<semaphore_mem>>) src(%dma_wait3A_914 : memref<64x128xf32, #tpu.memory_space<vmem>>) dst(%dma_wait3A_910 : memref<64x128xf32, #tpu.memory_space<hbm>>)
      %add3A_915 = arith.constant 1 : i32
      %add3A_916 = arith.addi %mul3A_553, %add3A_915 : i32
      %add3A_917 = arith.constant 10 : i32
      %add3A_918 = arith.addi %add3A_916, %add3A_917 : i32
      %dma_start3A_919 = arith.constant 1 : i32
      %dma_start3A_920 = arith.constant 0 : i32
      %dma_start3A_921 = arith.constant 0 : i32
      %dma_start3A_922 = tpu.memref_slice %arg6[%dma_start3A_919, %dma_start3A_920, %dma_start3A_921] : memref<10x64x128xf32, #tpu.memory_space<vmem>> -> memref<1x64x128xf32, #tpu.memory_space<vmem>>
      %dma_start3A_923 = tpu.memref_squeeze %dma_start3A_922 : memref<1x64x128xf32, #tpu.memory_space<vmem>> -> memref<64x128xf32, #tpu.memory_space<vmem>>
      %dma_start3A_924 = arith.constant 0 : i32
      %dma_start3A_925 = tpu.memref_slice %arg5[%add3A_918, %dma_start3A_924] : memref<100x64xi32, #tpu.memory_space<vmem>> -> memref<1x64xi32, #tpu.memory_space<vmem>>
      %dma_start3A_926 = tpu.memref_squeeze %dma_start3A_925 : memref<1x64xi32, #tpu.memory_space<vmem>> -> memref<64xi32, #tpu.memory_space<vmem>>
      %dma_start3A_927 = arith.constant 0 : i32
      %dma_start3A_928 = arith.constant 0 : i32
      %dma_start3A_929 = tpu.memref_slice %arg2[%dma_start3A_927, %dma_start3A_928] : memref<100001x128xf32, #tpu.memory_space<hbm>> -> memref<100001x128xf32, #tpu.memory_space<hbm>>
      tpu.enqueue_indirect_dma source(%dma_start3A_929 : memref<100001x128xf32, #tpu.memory_space<hbm>>) target(%dma_start3A_923 : memref<64x128xf32, #tpu.memory_space<vmem>>) offsets(%dma_start3A_926 : memref<64xi32, #tpu.memory_space<vmem>>) semaphore(%arg8 : memref<!tpu.dma_semaphore, #tpu.memory_space<semaphore_mem>>)
      %add3A_930 = arith.constant 2 : i32
      %add3A_931 = arith.addi %mul3A_553, %add3A_930 : i32
      %mul3A_932 = arith.constant 64 : i32
      %mul3A_933 = arith.muli %add3A_931, %mul3A_932 : i32
      %add3A_934 = arith.addi %mul3A_4, %mul3A_933 : i32
      %dma_wait3A_935 = arith.constant 2 : i32
      %dma_wait3A_936 = arith.constant 0 : i32
      %dma_wait3A_937 = arith.constant 0 : i32
      %dma_wait3A_938 = tpu.memref_slice %arg6[%dma_wait3A_935, %dma_wait3A_936, %dma_wait3A_937] : memref<10x64x128xf32, #tpu.memory_space<vmem>> -> memref<1x64x128xf32, #tpu.memory_space<vmem>>
      %dma_wait3A_939 = tpu.memref_squeeze %dma_wait3A_938 : memref<1x64x128xf32, #tpu.memory_space<vmem>> -> memref<64x128xf32, #tpu.memory_space<vmem>>
      %dma_wait3A_940 = arith.constant 0 : i32
      %dma_wait3A_941 = tpu.memref_slice %arg4[%add3A_934, %dma_wait3A_940] : memref<204800x128xf32, #tpu.memory_space<hbm>> -> memref<64x128xf32, #tpu.memory_space<hbm>>
      %dma_wait3A_942 = arith.constant 0 : i32
      %dma_wait3A_943 = tpu.memref_slice %arg4[%add3A_934, %dma_wait3A_942] : memref<204800x128xf32, #tpu.memory_space<hbm>> -> memref<64x128xf32, #tpu.memory_space<hbm>>
      %dma_wait3A_944 = arith.constant 0 : i32
      %dma_wait3A_945 = arith.constant 0 : i32
      %dma_wait3A_946 = tpu.memref_slice %arg6[%dma_wait3A_935, %dma_wait3A_944, %dma_wait3A_945] : memref<10x64x128xf32, #tpu.memory_space<vmem>> -> memref<1x64x128xf32, #tpu.memory_space<vmem>>
      %dma_wait3A_947 = tpu.memref_squeeze %dma_wait3A_946 : memref<1x64x128xf32, #tpu.memory_space<vmem>> -> memref<64x128xf32, #tpu.memory_space<vmem>>
      tpu.wait_dma2 semaphore(%arg19 : memref<!tpu.dma_semaphore, #tpu.memory_space<semaphore_mem>>) src(%dma_wait3A_947 : memref<64x128xf32, #tpu.memory_space<vmem>>) dst(%dma_wait3A_943 : memref<64x128xf32, #tpu.memory_space<hbm>>)
      %add3A_948 = arith.constant 2 : i32
      %add3A_949 = arith.addi %mul3A_553, %add3A_948 : i32
      %add3A_950 = arith.constant 10 : i32
      %add3A_951 = arith.addi %add3A_949, %add3A_950 : i32
      %dma_start3A_952 = arith.constant 2 : i32
      %dma_start3A_953 = arith.constant 0 : i32
      %dma_start3A_954 = arith.constant 0 : i32
      %dma_start3A_955 = tpu.memref_slice %arg6[%dma_start3A_952, %dma_start3A_953, %dma_start3A_954] : memref<10x64x128xf32, #tpu.memory_space<vmem>> -> memref<1x64x128xf32, #tpu.memory_space<vmem>>
      %dma_start3A_956 = tpu.memref_squeeze %dma_start3A_955 : memref<1x64x128xf32, #tpu.memory_space<vmem>> -> memref<64x128xf32, #tpu.memory_space<vmem>>
      %dma_start3A_957 = arith.constant 0 : i32
      %dma_start3A_958 = tpu.memref_slice %arg5[%add3A_951, %dma_start3A_957] : memref<100x64xi32, #tpu.memory_space<vmem>> -> memref<1x64xi32, #tpu.memory_space<vmem>>
      %dma_start3A_959 = tpu.memref_squeeze %dma_start3A_958 : memref<1x64xi32, #tpu.memory_space<vmem>> -> memref<64xi32, #tpu.memory_space<vmem>>
      %dma_start3A_960 = arith.constant 0 : i32
      %dma_start3A_961 = arith.constant 0 : i32
      %dma_start3A_962 = tpu.memref_slice %arg2[%dma_start3A_960, %dma_start3A_961] : memref<100001x128xf32, #tpu.memory_space<hbm>> -> memref<100001x128xf32, #tpu.memory_space<hbm>>
      tpu.enqueue_indirect_dma source(%dma_start3A_962 : memref<100001x128xf32, #tpu.memory_space<hbm>>) target(%dma_start3A_956 : memref<64x128xf32, #tpu.memory_space<vmem>>) offsets(%dma_start3A_959 : memref<64xi32, #tpu.memory_space<vmem>>) semaphore(%arg9 : memref<!tpu.dma_semaphore, #tpu.memory_space<semaphore_mem>>)
      %add3A_963 = arith.constant 3 : i32
      %add3A_964 = arith.addi %mul3A_553, %add3A_963 : i32
      %mul3A_965 = arith.constant 64 : i32
      %mul3A_966 = arith.muli %add3A_964, %mul3A_965 : i32
      %add3A_967 = arith.addi %mul3A_4, %mul3A_966 : i32
      %dma_wait3A_968 = arith.constant 3 : i32
      %dma_wait3A_969 = arith.constant 0 : i32
      %dma_wait3A_970 = arith.constant 0 : i32
      %dma_wait3A_971 = tpu.memref_slice %arg6[%dma_wait3A_968, %dma_wait3A_969, %dma_wait3A_970] : memref<10x64x128xf32, #tpu.memory_space<vmem>> -> memref<1x64x128xf32, #tpu.memory_space<vmem>>
      %dma_wait3A_972 = tpu.memref_squeeze %dma_wait3A_971 : memref<1x64x128xf32, #tpu.memory_space<vmem>> -> memref<64x128xf32, #tpu.memory_space<vmem>>
      %dma_wait3A_973 = arith.constant 0 : i32
      %dma_wait3A_974 = tpu.memref_slice %arg4[%add3A_967, %dma_wait3A_973] : memref<204800x128xf32, #tpu.memory_space<hbm>> -> memref<64x128xf32, #tpu.memory_space<hbm>>
      %dma_wait3A_975 = arith.constant 0 : i32
      %dma_wait3A_976 = tpu.memref_slice %arg4[%add3A_967, %dma_wait3A_975] : memref<204800x128xf32, #tpu.memory_space<hbm>> -> memref<64x128xf32, #tpu.memory_space<hbm>>
      %dma_wait3A_977 = arith.constant 0 : i32
      %dma_wait3A_978 = arith.constant 0 : i32
      %dma_wait3A_979 = tpu.memref_slice %arg6[%dma_wait3A_968, %dma_wait3A_977, %dma_wait3A_978] : memref<10x64x128xf32, #tpu.memory_space<vmem>> -> memref<1x64x128xf32, #tpu.memory_space<vmem>>
      %dma_wait3A_980 = tpu.memref_squeeze %dma_wait3A_979 : memref<1x64x128xf32, #tpu.memory_space<vmem>> -> memref<64x128xf32, #tpu.memory_space<vmem>>
      tpu.wait_dma2 semaphore(%arg20 : memref<!tpu.dma_semaphore, #tpu.memory_space<semaphore_mem>>) src(%dma_wait3A_980 : memref<64x128xf32, #tpu.memory_space<vmem>>) dst(%dma_wait3A_976 : memref<64x128xf32, #tpu.memory_space<hbm>>)
      %add3A_981 = arith.constant 3 : i32
      %add3A_982 = arith.addi %mul3A_553, %add3A_981 : i32
      %add3A_983 = arith.constant 10 : i32
      %add3A_984 = arith.addi %add3A_982, %add3A_983 : i32
      %dma_start3A_985 = arith.constant 3 : i32
      %dma_start3A_986 = arith.constant 0 : i32
      %dma_start3A_987 = arith.constant 0 : i32
      %dma_start3A_988 = tpu.memref_slice %arg6[%dma_start3A_985, %dma_start3A_986, %dma_start3A_987] : memref<10x64x128xf32, #tpu.memory_space<vmem>> -> memref<1x64x128xf32, #tpu.memory_space<vmem>>
      %dma_start3A_989 = tpu.memref_squeeze %dma_start3A_988 : memref<1x64x128xf32, #tpu.memory_space<vmem>> -> memref<64x128xf32, #tpu.memory_space<vmem>>
      %dma_start3A_990 = arith.constant 0 : i32
      %dma_start3A_991 = tpu.memref_slice %arg5[%add3A_984, %dma_start3A_990] : memref<100x64xi32, #tpu.memory_space<vmem>> -> memref<1x64xi32, #tpu.memory_space<vmem>>
      %dma_start3A_992 = tpu.memref_squeeze %dma_start3A_991 : memref<1x64xi32, #tpu.memory_space<vmem>> -> memref<64xi32, #tpu.memory_space<vmem>>
      %dma_start3A_993 = arith.constant 0 : i32
      %dma_start3A_994 = arith.constant 0 : i32
      %dma_start3A_995 = tpu.memref_slice %arg2[%dma_start3A_993, %dma_start3A_994] : memref<100001x128xf32, #tpu.memory_space<hbm>> -> memref<100001x128xf32, #tpu.memory_space<hbm>>
      tpu.enqueue_indirect_dma source(%dma_start3A_995 : memref<100001x128xf32, #tpu.memory_space<hbm>>) target(%dma_start3A_989 : memref<64x128xf32, #tpu.memory_space<vmem>>) offsets(%dma_start3A_992 : memref<64xi32, #tpu.memory_space<vmem>>) semaphore(%arg10 : memref<!tpu.dma_semaphore, #tpu.memory_space<semaphore_mem>>)
      %add3A_996 = arith.constant 4 : i32
      %add3A_997 = arith.addi %mul3A_553, %add3A_996 : i32
      %mul3A_998 = arith.constant 64 : i32
      %mul3A_999 = arith.muli %add3A_997, %mul3A_998 : i32
      %add3A_1000 = arith.addi %mul3A_4, %mul3A_999 : i32
      %dma_wait3A_1001 = arith.constant 4 : i32
      %dma_wait3A_1002 = arith.constant 0 : i32
      %dma_wait3A_1003 = arith.constant 0 : i32
      %dma_wait3A_1004 = tpu.memref_slice %arg6[%dma_wait3A_1001, %dma_wait3A_1002, %dma_wait3A_1003] : memref<10x64x128xf32, #tpu.memory_space<vmem>> -> memref<1x64x128xf32, #tpu.memory_space<vmem>>
      %dma_wait3A_1005 = tpu.memref_squeeze %dma_wait3A_1004 : memref<1x64x128xf32, #tpu.memory_space<vmem>> -> memref<64x128xf32, #tpu.memory_space<vmem>>
      %dma_wait3A_1006 = arith.constant 0 : i32
      %dma_wait3A_1007 = tpu.memref_slice %arg4[%add3A_1000, %dma_wait3A_1006] : memref<204800x128xf32, #tpu.memory_space<hbm>> -> memref<64x128xf32, #tpu.memory_space<hbm>>
      %dma_wait3A_1008 = arith.constant 0 : i32
      %dma_wait3A_1009 = tpu.memref_slice %arg4[%add3A_1000, %dma_wait3A_1008] : memref<204800x128xf32, #tpu.memory_space<hbm>> -> memref<64x128xf32, #tpu.memory_space<hbm>>
      %dma_wait3A_1010 = arith.constant 0 : i32
      %dma_wait3A_1011 = arith.constant 0 : i32
      %dma_wait3A_1012 = tpu.memref_slice %arg6[%dma_wait3A_1001, %dma_wait3A_1010, %dma_wait3A_1011] : memref<10x64x128xf32, #tpu.memory_space<vmem>> -> memref<1x64x128xf32, #tpu.memory_space<vmem>>
      %dma_wait3A_1013 = tpu.memref_squeeze %dma_wait3A_1012 : memref<1x64x128xf32, #tpu.memory_space<vmem>> -> memref<64x128xf32, #tpu.memory_space<vmem>>
      tpu.wait_dma2 semaphore(%arg21 : memref<!tpu.dma_semaphore, #tpu.memory_space<semaphore_mem>>) src(%dma_wait3A_1013 : memref<64x128xf32, #tpu.memory_space<vmem>>) dst(%dma_wait3A_1009 : memref<64x128xf32, #tpu.memory_space<hbm>>)
      %add3A_1014 = arith.constant 4 : i32
      %add3A_1015 = arith.addi %mul3A_553, %add3A_1014 : i32
      %add3A_1016 = arith.constant 10 : i32
      %add3A_1017 = arith.addi %add3A_1015, %add3A_1016 : i32
      %dma_start3A_1018 = arith.constant 4 : i32
      %dma_start3A_1019 = arith.constant 0 : i32
      %dma_start3A_1020 = arith.constant 0 : i32
      %dma_start3A_1021 = tpu.memref_slice %arg6[%dma_start3A_1018, %dma_start3A_1019, %dma_start3A_1020] : memref<10x64x128xf32, #tpu.memory_space<vmem>> -> memref<1x64x128xf32, #tpu.memory_space<vmem>>
      %dma_start3A_1022 = tpu.memref_squeeze %dma_start3A_1021 : memref<1x64x128xf32, #tpu.memory_space<vmem>> -> memref<64x128xf32, #tpu.memory_space<vmem>>
      %dma_start3A_1023 = arith.constant 0 : i32
      %dma_start3A_1024 = tpu.memref_slice %arg5[%add3A_1017, %dma_start3A_1023] : memref<100x64xi32, #tpu.memory_space<vmem>> -> memref<1x64xi32, #tpu.memory_space<vmem>>
      %dma_start3A_1025 = tpu.memref_squeeze %dma_start3A_1024 : memref<1x64xi32, #tpu.memory_space<vmem>> -> memref<64xi32, #tpu.memory_space<vmem>>
      %dma_start3A_1026 = arith.constant 0 : i32
      %dma_start3A_1027 = arith.constant 0 : i32
      %dma_start3A_1028 = tpu.memref_slice %arg2[%dma_start3A_1026, %dma_start3A_1027] : memref<100001x128xf32, #tpu.memory_space<hbm>> -> memref<100001x128xf32, #tpu.memory_space<hbm>>
      tpu.enqueue_indirect_dma source(%dma_start3A_1028 : memref<100001x128xf32, #tpu.memory_space<hbm>>) target(%dma_start3A_1022 : memref<64x128xf32, #tpu.memory_space<vmem>>) offsets(%dma_start3A_1025 : memref<64xi32, #tpu.memory_space<vmem>>) semaphore(%arg11 : memref<!tpu.dma_semaphore, #tpu.memory_space<semaphore_mem>>)
      %add3A_1029 = arith.constant 5 : i32
      %add3A_1030 = arith.addi %mul3A_553, %add3A_1029 : i32
      %mul3A_1031 = arith.constant 64 : i32
      %mul3A_1032 = arith.muli %add3A_1030, %mul3A_1031 : i32
      %add3A_1033 = arith.addi %mul3A_4, %mul3A_1032 : i32
      %dma_wait3A_1034 = arith.constant 5 : i32
      %dma_wait3A_1035 = arith.constant 0 : i32
      %dma_wait3A_1036 = arith.constant 0 : i32
      %dma_wait3A_1037 = tpu.memref_slice %arg6[%dma_wait3A_1034, %dma_wait3A_1035, %dma_wait3A_1036] : memref<10x64x128xf32, #tpu.memory_space<vmem>> -> memref<1x64x128xf32, #tpu.memory_space<vmem>>
      %dma_wait3A_1038 = tpu.memref_squeeze %dma_wait3A_1037 : memref<1x64x128xf32, #tpu.memory_space<vmem>> -> memref<64x128xf32, #tpu.memory_space<vmem>>
      %dma_wait3A_1039 = arith.constant 0 : i32
      %dma_wait3A_1040 = tpu.memref_slice %arg4[%add3A_1033, %dma_wait3A_1039] : memref<204800x128xf32, #tpu.memory_space<hbm>> -> memref<64x128xf32, #tpu.memory_space<hbm>>
      %dma_wait3A_1041 = arith.constant 0 : i32
      %dma_wait3A_1042 = tpu.memref_slice %arg4[%add3A_1033, %dma_wait3A_1041] : memref<204800x128xf32, #tpu.memory_space<hbm>> -> memref<64x128xf32, #tpu.memory_space<hbm>>
      %dma_wait3A_1043 = arith.constant 0 : i32
      %dma_wait3A_1044 = arith.constant 0 : i32
      %dma_wait3A_1045 = tpu.memref_slice %arg6[%dma_wait3A_1034, %dma_wait3A_1043, %dma_wait3A_1044] : memref<10x64x128xf32, #tpu.memory_space<vmem>> -> memref<1x64x128xf32, #tpu.memory_space<vmem>>
      %dma_wait3A_1046 = tpu.memref_squeeze %dma_wait3A_1045 : memref<1x64x128xf32, #tpu.memory_space<vmem>> -> memref<64x128xf32, #tpu.memory_space<vmem>>
      tpu.wait_dma2 semaphore(%arg22 : memref<!tpu.dma_semaphore, #tpu.memory_space<semaphore_mem>>) src(%dma_wait3A_1046 : memref<64x128xf32, #tpu.memory_space<vmem>>) dst(%dma_wait3A_1042 : memref<64x128xf32, #tpu.memory_space<hbm>>)
      %add3A_1047 = arith.constant 5 : i32
      %add3A_1048 = arith.addi %mul3A_553, %add3A_1047 : i32
      %add3A_1049 = arith.constant 10 : i32
      %add3A_1050 = arith.addi %add3A_1048, %add3A_1049 : i32
      %dma_start3A_1051 = arith.constant 5 : i32
      %dma_start3A_1052 = arith.constant 0 : i32
      %dma_start3A_1053 = arith.constant 0 : i32
      %dma_start3A_1054 = tpu.memref_slice %arg6[%dma_start3A_1051, %dma_start3A_1052, %dma_start3A_1053] : memref<10x64x128xf32, #tpu.memory_space<vmem>> -> memref<1x64x128xf32, #tpu.memory_space<vmem>>
      %dma_start3A_1055 = tpu.memref_squeeze %dma_start3A_1054 : memref<1x64x128xf32, #tpu.memory_space<vmem>> -> memref<64x128xf32, #tpu.memory_space<vmem>>
      %dma_start3A_1056 = arith.constant 0 : i32
      %dma_start3A_1057 = tpu.memref_slice %arg5[%add3A_1050, %dma_start3A_1056] : memref<100x64xi32, #tpu.memory_space<vmem>> -> memref<1x64xi32, #tpu.memory_space<vmem>>
      %dma_start3A_1058 = tpu.memref_squeeze %dma_start3A_1057 : memref<1x64xi32, #tpu.memory_space<vmem>> -> memref<64xi32, #tpu.memory_space<vmem>>
      %dma_start3A_1059 = arith.constant 0 : i32
      %dma_start3A_1060 = arith.constant 0 : i32
      %dma_start3A_1061 = tpu.memref_slice %arg2[%dma_start3A_1059, %dma_start3A_1060] : memref<100001x128xf32, #tpu.memory_space<hbm>> -> memref<100001x128xf32, #tpu.memory_space<hbm>>
      tpu.enqueue_indirect_dma source(%dma_start3A_1061 : memref<100001x128xf32, #tpu.memory_space<hbm>>) target(%dma_start3A_1055 : memref<64x128xf32, #tpu.memory_space<vmem>>) offsets(%dma_start3A_1058 : memref<64xi32, #tpu.memory_space<vmem>>) semaphore(%arg12 : memref<!tpu.dma_semaphore, #tpu.memory_space<semaphore_mem>>)
      %add3A_1062 = arith.constant 6 : i32
      %add3A_1063 = arith.addi %mul3A_553, %add3A_1062 : i32
      %mul3A_1064 = arith.constant 64 : i32
      %mul3A_1065 = arith.muli %add3A_1063, %mul3A_1064 : i32
      %add3A_1066 = arith.addi %mul3A_4, %mul3A_1065 : i32
      %dma_wait3A_1067 = arith.constant 6 : i32
      %dma_wait3A_1068 = arith.constant 0 : i32
      %dma_wait3A_1069 = arith.constant 0 : i32
      %dma_wait3A_1070 = tpu.memref_slice %arg6[%dma_wait3A_1067, %dma_wait3A_1068, %dma_wait3A_1069] : memref<10x64x128xf32, #tpu.memory_space<vmem>> -> memref<1x64x128xf32, #tpu.memory_space<vmem>>
      %dma_wait3A_1071 = tpu.memref_squeeze %dma_wait3A_1070 : memref<1x64x128xf32, #tpu.memory_space<vmem>> -> memref<64x128xf32, #tpu.memory_space<vmem>>
      %dma_wait3A_1072 = arith.constant 0 : i32
      %dma_wait3A_1073 = tpu.memref_slice %arg4[%add3A_1066, %dma_wait3A_1072] : memref<204800x128xf32, #tpu.memory_space<hbm>> -> memref<64x128xf32, #tpu.memory_space<hbm>>
      %dma_wait3A_1074 = arith.constant 0 : i32
      %dma_wait3A_1075 = tpu.memref_slice %arg4[%add3A_1066, %dma_wait3A_1074] : memref<204800x128xf32, #tpu.memory_space<hbm>> -> memref<64x128xf32, #tpu.memory_space<hbm>>
      %dma_wait3A_1076 = arith.constant 0 : i32
      %dma_wait3A_1077 = arith.constant 0 : i32
      %dma_wait3A_1078 = tpu.memref_slice %arg6[%dma_wait3A_1067, %dma_wait3A_1076, %dma_wait3A_1077] : memref<10x64x128xf32, #tpu.memory_space<vmem>> -> memref<1x64x128xf32, #tpu.memory_space<vmem>>
      %dma_wait3A_1079 = tpu.memref_squeeze %dma_wait3A_1078 : memref<1x64x128xf32, #tpu.memory_space<vmem>> -> memref<64x128xf32, #tpu.memory_space<vmem>>
      tpu.wait_dma2 semaphore(%arg23 : memref<!tpu.dma_semaphore, #tpu.memory_space<semaphore_mem>>) src(%dma_wait3A_1079 : memref<64x128xf32, #tpu.memory_space<vmem>>) dst(%dma_wait3A_1075 : memref<64x128xf32, #tpu.memory_space<hbm>>)
      %add3A_1080 = arith.constant 6 : i32
      %add3A_1081 = arith.addi %mul3A_553, %add3A_1080 : i32
      %add3A_1082 = arith.constant 10 : i32
      %add3A_1083 = arith.addi %add3A_1081, %add3A_1082 : i32
      %dma_start3A_1084 = arith.constant 6 : i32
      %dma_start3A_1085 = arith.constant 0 : i32
      %dma_start3A_1086 = arith.constant 0 : i32
      %dma_start3A_1087 = tpu.memref_slice %arg6[%dma_start3A_1084, %dma_start3A_1085, %dma_start3A_1086] : memref<10x64x128xf32, #tpu.memory_space<vmem>> -> memref<1x64x128xf32, #tpu.memory_space<vmem>>
      %dma_start3A_1088 = tpu.memref_squeeze %dma_start3A_1087 : memref<1x64x128xf32, #tpu.memory_space<vmem>> -> memref<64x128xf32, #tpu.memory_space<vmem>>
      %dma_start3A_1089 = arith.constant 0 : i32
      %dma_start3A_1090 = tpu.memref_slice %arg5[%add3A_1083, %dma_start3A_1089] : memref<100x64xi32, #tpu.memory_space<vmem>> -> memref<1x64xi32, #tpu.memory_space<vmem>>
      %dma_start3A_1091 = tpu.memref_squeeze %dma_start3A_1090 : memref<1x64xi32, #tpu.memory_space<vmem>> -> memref<64xi32, #tpu.memory_space<vmem>>
      %dma_start3A_1092 = arith.constant 0 : i32
      %dma_start3A_1093 = arith.constant 0 : i32
      %dma_start3A_1094 = tpu.memref_slice %arg2[%dma_start3A_1092, %dma_start3A_1093] : memref<100001x128xf32, #tpu.memory_space<hbm>> -> memref<100001x128xf32, #tpu.memory_space<hbm>>
      tpu.enqueue_indirect_dma source(%dma_start3A_1094 : memref<100001x128xf32, #tpu.memory_space<hbm>>) target(%dma_start3A_1088 : memref<64x128xf32, #tpu.memory_space<vmem>>) offsets(%dma_start3A_1091 : memref<64xi32, #tpu.memory_space<vmem>>) semaphore(%arg13 : memref<!tpu.dma_semaphore, #tpu.memory_space<semaphore_mem>>)
      %add3A_1095 = arith.constant 7 : i32
      %add3A_1096 = arith.addi %mul3A_553, %add3A_1095 : i32
      %mul3A_1097 = arith.constant 64 : i32
      %mul3A_1098 = arith.muli %add3A_1096, %mul3A_1097 : i32
      %add3A_1099 = arith.addi %mul3A_4, %mul3A_1098 : i32
      %dma_wait3A_1100 = arith.constant 7 : i32
      %dma_wait3A_1101 = arith.constant 0 : i32
      %dma_wait3A_1102 = arith.constant 0 : i32
      %dma_wait3A_1103 = tpu.memref_slice %arg6[%dma_wait3A_1100, %dma_wait3A_1101, %dma_wait3A_1102] : memref<10x64x128xf32, #tpu.memory_space<vmem>> -> memref<1x64x128xf32, #tpu.memory_space<vmem>>
      %dma_wait3A_1104 = tpu.memref_squeeze %dma_wait3A_1103 : memref<1x64x128xf32, #tpu.memory_space<vmem>> -> memref<64x128xf32, #tpu.memory_space<vmem>>
      %dma_wait3A_1105 = arith.constant 0 : i32
      %dma_wait3A_1106 = tpu.memref_slice %arg4[%add3A_1099, %dma_wait3A_1105] : memref<204800x128xf32, #tpu.memory_space<hbm>> -> memref<64x128xf32, #tpu.memory_space<hbm>>
      %dma_wait3A_1107 = arith.constant 0 : i32
      %dma_wait3A_1108 = tpu.memref_slice %arg4[%add3A_1099, %dma_wait3A_1107] : memref<204800x128xf32, #tpu.memory_space<hbm>> -> memref<64x128xf32, #tpu.memory_space<hbm>>
      %dma_wait3A_1109 = arith.constant 0 : i32
      %dma_wait3A_1110 = arith.constant 0 : i32
      %dma_wait3A_1111 = tpu.memref_slice %arg6[%dma_wait3A_1100, %dma_wait3A_1109, %dma_wait3A_1110] : memref<10x64x128xf32, #tpu.memory_space<vmem>> -> memref<1x64x128xf32, #tpu.memory_space<vmem>>
      %dma_wait3A_1112 = tpu.memref_squeeze %dma_wait3A_1111 : memref<1x64x128xf32, #tpu.memory_space<vmem>> -> memref<64x128xf32, #tpu.memory_space<vmem>>
      tpu.wait_dma2 semaphore(%arg24 : memref<!tpu.dma_semaphore, #tpu.memory_space<semaphore_mem>>) src(%dma_wait3A_1112 : memref<64x128xf32, #tpu.memory_space<vmem>>) dst(%dma_wait3A_1108 : memref<64x128xf32, #tpu.memory_space<hbm>>)
      %add3A_1113 = arith.constant 7 : i32
      %add3A_1114 = arith.addi %mul3A_553, %add3A_1113 : i32
      %add3A_1115 = arith.constant 10 : i32
      %add3A_1116 = arith.addi %add3A_1114, %add3A_1115 : i32
      %dma_start3A_1117 = arith.constant 7 : i32
      %dma_start3A_1118 = arith.constant 0 : i32
      %dma_start3A_1119 = arith.constant 0 : i32
      %dma_start3A_1120 = tpu.memref_slice %arg6[%dma_start3A_1117, %dma_start3A_1118, %dma_start3A_1119] : memref<10x64x128xf32, #tpu.memory_space<vmem>> -> memref<1x64x128xf32, #tpu.memory_space<vmem>>
      %dma_start3A_1121 = tpu.memref_squeeze %dma_start3A_1120 : memref<1x64x128xf32, #tpu.memory_space<vmem>> -> memref<64x128xf32, #tpu.memory_space<vmem>>
      %dma_start3A_1122 = arith.constant 0 : i32
      %dma_start3A_1123 = tpu.memref_slice %arg5[%add3A_1116, %dma_start3A_1122] : memref<100x64xi32, #tpu.memory_space<vmem>> -> memref<1x64xi32, #tpu.memory_space<vmem>>
      %dma_start3A_1124 = tpu.memref_squeeze %dma_start3A_1123 : memref<1x64xi32, #tpu.memory_space<vmem>> -> memref<64xi32, #tpu.memory_space<vmem>>
      %dma_start3A_1125 = arith.constant 0 : i32
      %dma_start3A_1126 = arith.constant 0 : i32
      %dma_start3A_1127 = tpu.memref_slice %arg2[%dma_start3A_1125, %dma_start3A_1126] : memref<100001x128xf32, #tpu.memory_space<hbm>> -> memref<100001x128xf32, #tpu.memory_space<hbm>>
      tpu.enqueue_indirect_dma source(%dma_start3A_1127 : memref<100001x128xf32, #tpu.memory_space<hbm>>) target(%dma_start3A_1121 : memref<64x128xf32, #tpu.memory_space<vmem>>) offsets(%dma_start3A_1124 : memref<64xi32, #tpu.memory_space<vmem>>) semaphore(%arg14 : memref<!tpu.dma_semaphore, #tpu.memory_space<semaphore_mem>>)
      %add3A_1128 = arith.constant 8 : i32
      %add3A_1129 = arith.addi %mul3A_553, %add3A_1128 : i32
      %mul3A_1130 = arith.constant 64 : i32
      %mul3A_1131 = arith.muli %add3A_1129, %mul3A_1130 : i32
      %add3A_1132 = arith.addi %mul3A_4, %mul3A_1131 : i32
      %dma_wait3A_1133 = arith.constant 8 : i32
      %dma_wait3A_1134 = arith.constant 0 : i32
      %dma_wait3A_1135 = arith.constant 0 : i32
      %dma_wait3A_1136 = tpu.memref_slice %arg6[%dma_wait3A_1133, %dma_wait3A_1134, %dma_wait3A_1135] : memref<10x64x128xf32, #tpu.memory_space<vmem>> -> memref<1x64x128xf32, #tpu.memory_space<vmem>>
      %dma_wait3A_1137 = tpu.memref_squeeze %dma_wait3A_1136 : memref<1x64x128xf32, #tpu.memory_space<vmem>> -> memref<64x128xf32, #tpu.memory_space<vmem>>
      %dma_wait3A_1138 = arith.constant 0 : i32
      %dma_wait3A_1139 = tpu.memref_slice %arg4[%add3A_1132, %dma_wait3A_1138] : memref<204800x128xf32, #tpu.memory_space<hbm>> -> memref<64x128xf32, #tpu.memory_space<hbm>>
      %dma_wait3A_1140 = arith.constant 0 : i32
      %dma_wait3A_1141 = tpu.memref_slice %arg4[%add3A_1132, %dma_wait3A_1140] : memref<204800x128xf32, #tpu.memory_space<hbm>> -> memref<64x128xf32, #tpu.memory_space<hbm>>
      %dma_wait3A_1142 = arith.constant 0 : i32
      %dma_wait3A_1143 = arith.constant 0 : i32
      %dma_wait3A_1144 = tpu.memref_slice %arg6[%dma_wait3A_1133, %dma_wait3A_1142, %dma_wait3A_1143] : memref<10x64x128xf32, #tpu.memory_space<vmem>> -> memref<1x64x128xf32, #tpu.memory_space<vmem>>
      %dma_wait3A_1145 = tpu.memref_squeeze %dma_wait3A_1144 : memref<1x64x128xf32, #tpu.memory_space<vmem>> -> memref<64x128xf32, #tpu.memory_space<vmem>>
      tpu.wait_dma2 semaphore(%arg25 : memref<!tpu.dma_semaphore, #tpu.memory_space<semaphore_mem>>) src(%dma_wait3A_1145 : memref<64x128xf32, #tpu.memory_space<vmem>>) dst(%dma_wait3A_1141 : memref<64x128xf32, #tpu.memory_space<hbm>>)
      %add3A_1146 = arith.constant 8 : i32
      %add3A_1147 = arith.addi %mul3A_553, %add3A_1146 : i32
      %add3A_1148 = arith.constant 10 : i32
      %add3A_1149 = arith.addi %add3A_1147, %add3A_1148 : i32
      %dma_start3A_1150 = arith.constant 8 : i32
      %dma_start3A_1151 = arith.constant 0 : i32
      %dma_start3A_1152 = arith.constant 0 : i32
      %dma_start3A_1153 = tpu.memref_slice %arg6[%dma_start3A_1150, %dma_start3A_1151, %dma_start3A_1152] : memref<10x64x128xf32, #tpu.memory_space<vmem>> -> memref<1x64x128xf32, #tpu.memory_space<vmem>>
      %dma_start3A_1154 = tpu.memref_squeeze %dma_start3A_1153 : memref<1x64x128xf32, #tpu.memory_space<vmem>> -> memref<64x128xf32, #tpu.memory_space<vmem>>
      %dma_start3A_1155 = arith.constant 0 : i32
      %dma_start3A_1156 = tpu.memref_slice %arg5[%add3A_1149, %dma_start3A_1155] : memref<100x64xi32, #tpu.memory_space<vmem>> -> memref<1x64xi32, #tpu.memory_space<vmem>>
      %dma_start3A_1157 = tpu.memref_squeeze %dma_start3A_1156 : memref<1x64xi32, #tpu.memory_space<vmem>> -> memref<64xi32, #tpu.memory_space<vmem>>
      %dma_start3A_1158 = arith.constant 0 : i32
      %dma_start3A_1159 = arith.constant 0 : i32
      %dma_start3A_1160 = tpu.memref_slice %arg2[%dma_start3A_1158, %dma_start3A_1159] : memref<100001x128xf32, #tpu.memory_space<hbm>> -> memref<100001x128xf32, #tpu.memory_space<hbm>>
      tpu.enqueue_indirect_dma source(%dma_start3A_1160 : memref<100001x128xf32, #tpu.memory_space<hbm>>) target(%dma_start3A_1154 : memref<64x128xf32, #tpu.memory_space<vmem>>) offsets(%dma_start3A_1157 : memref<64xi32, #tpu.memory_space<vmem>>) semaphore(%arg15 : memref<!tpu.dma_semaphore, #tpu.memory_space<semaphore_mem>>)
      %add3A_1161 = arith.constant 9 : i32
      %add3A_1162 = arith.addi %mul3A_553, %add3A_1161 : i32
      %mul3A_1163 = arith.constant 64 : i32
      %mul3A_1164 = arith.muli %add3A_1162, %mul3A_1163 : i32
      %add3A_1165 = arith.addi %mul3A_4, %mul3A_1164 : i32
      %dma_wait3A_1166 = arith.constant 9 : i32
      %dma_wait3A_1167 = arith.constant 0 : i32
      %dma_wait3A_1168 = arith.constant 0 : i32
      %dma_wait3A_1169 = tpu.memref_slice %arg6[%dma_wait3A_1166, %dma_wait3A_1167, %dma_wait3A_1168] : memref<10x64x128xf32, #tpu.memory_space<vmem>> -> memref<1x64x128xf32, #tpu.memory_space<vmem>>
      %dma_wait3A_1170 = tpu.memref_squeeze %dma_wait3A_1169 : memref<1x64x128xf32, #tpu.memory_space<vmem>> -> memref<64x128xf32, #tpu.memory_space<vmem>>
      %dma_wait3A_1171 = arith.constant 0 : i32
      %dma_wait3A_1172 = tpu.memref_slice %arg4[%add3A_1165, %dma_wait3A_1171] : memref<204800x128xf32, #tpu.memory_space<hbm>> -> memref<64x128xf32, #tpu.memory_space<hbm>>
      %dma_wait3A_1173 = arith.constant 0 : i32
      %dma_wait3A_1174 = tpu.memref_slice %arg4[%add3A_1165, %dma_wait3A_1173] : memref<204800x128xf32, #tpu.memory_space<hbm>> -> memref<64x128xf32, #tpu.memory_space<hbm>>
      %dma_wait3A_1175 = arith.constant 0 : i32
      %dma_wait3A_1176 = arith.constant 0 : i32
      %dma_wait3A_1177 = tpu.memref_slice %arg6[%dma_wait3A_1166, %dma_wait3A_1175, %dma_wait3A_1176] : memref<10x64x128xf32, #tpu.memory_space<vmem>> -> memref<1x64x128xf32, #tpu.memory_space<vmem>>
      %dma_wait3A_1178 = tpu.memref_squeeze %dma_wait3A_1177 : memref<1x64x128xf32, #tpu.memory_space<vmem>> -> memref<64x128xf32, #tpu.memory_space<vmem>>
      tpu.wait_dma2 semaphore(%arg26 : memref<!tpu.dma_semaphore, #tpu.memory_space<semaphore_mem>>) src(%dma_wait3A_1178 : memref<64x128xf32, #tpu.memory_space<vmem>>) dst(%dma_wait3A_1174 : memref<64x128xf32, #tpu.memory_space<hbm>>)
      %add3A_1179 = arith.constant 9 : i32
      %add3A_1180 = arith.addi %mul3A_553, %add3A_1179 : i32
      %add3A_1181 = arith.constant 10 : i32
      %add3A_1182 = arith.addi %add3A_1180, %add3A_1181 : i32
      %dma_start3A_1183 = arith.constant 9 : i32
      %dma_start3A_1184 = arith.constant 0 : i32
      %dma_start3A_1185 = arith.constant 0 : i32
      %dma_start3A_1186 = tpu.memref_slice %arg6[%dma_start3A_1183, %dma_start3A_1184, %dma_start3A_1185] : memref<10x64x128xf32, #tpu.memory_space<vmem>> -> memref<1x64x128xf32, #tpu.memory_space<vmem>>
      %dma_start3A_1187 = tpu.memref_squeeze %dma_start3A_1186 : memref<1x64x128xf32, #tpu.memory_space<vmem>> -> memref<64x128xf32, #tpu.memory_space<vmem>>
      %dma_start3A_1188 = arith.constant 0 : i32
      %dma_start3A_1189 = tpu.memref_slice %arg5[%add3A_1182, %dma_start3A_1188] : memref<100x64xi32, #tpu.memory_space<vmem>> -> memref<1x64xi32, #tpu.memory_space<vmem>>
      %dma_start3A_1190 = tpu.memref_squeeze %dma_start3A_1189 : memref<1x64xi32, #tpu.memory_space<vmem>> -> memref<64xi32, #tpu.memory_space<vmem>>
      %dma_start3A_1191 = arith.constant 0 : i32
      %dma_start3A_1192 = arith.constant 0 : i32
      %dma_start3A_1193 = tpu.memref_slice %arg2[%dma_start3A_1191, %dma_start3A_1192] : memref<100001x128xf32, #tpu.memory_space<hbm>> -> memref<100001x128xf32, #tpu.memory_space<hbm>>
      tpu.enqueue_indirect_dma source(%dma_start3A_1193 : memref<100001x128xf32, #tpu.memory_space<hbm>>) target(%dma_start3A_1187 : memref<64x128xf32, #tpu.memory_space<vmem>>) offsets(%dma_start3A_1190 : memref<64xi32, #tpu.memory_space<vmem>>) semaphore(%arg16 : memref<!tpu.dma_semaphore, #tpu.memory_space<semaphore_mem>>)
    }
    %scan3A_127 = arith.constant 9 : i32
    %dma_wait3A = arith.constant 90 : i32
    %dma_wait3A_128 = arith.constant 0 : i32
    %dma_wait3A_129 = arith.constant 0 : i32
    %dma_wait3A_130 = arith.constant 0 : i32
    %dma_wait3A_131 = tpu.memref_slice %arg6[%dma_wait3A_128, %dma_wait3A_129, %dma_wait3A_130] : memref<10x64x128xf32, #tpu.memory_space<vmem>> -> memref<1x64x128xf32, #tpu.memory_space<vmem>>
    %dma_wait3A_132 = tpu.memref_squeeze %dma_wait3A_131 : memref<1x64x128xf32, #tpu.memory_space<vmem>> -> memref<64x128xf32, #tpu.memory_space<vmem>>
    %dma_wait3A_133 = arith.constant 0 : i32
    %dma_wait3A_134 = tpu.memref_slice %arg5[%dma_wait3A, %dma_wait3A_133] : memref<100x64xi32, #tpu.memory_space<vmem>> -> memref<1x64xi32, #tpu.memory_space<vmem>>
    %dma_wait3A_135 = tpu.memref_squeeze %dma_wait3A_134 : memref<1x64xi32, #tpu.memory_space<vmem>> -> memref<64xi32, #tpu.memory_space<vmem>>
    %dma_wait3A_136 = arith.constant 0 : i32
    %dma_wait3A_137 = arith.constant 0 : i32
    %dma_wait3A_138 = tpu.memref_slice %arg2[%dma_wait3A_136, %dma_wait3A_137] : memref<100001x128xf32, #tpu.memory_space<hbm>> -> memref<100001x128xf32, #tpu.memory_space<hbm>>
    tpu.wait_indirect_dma semaphore(%arg7 : memref<!tpu.dma_semaphore, #tpu.memory_space<semaphore_mem>>) src(%dma_wait3A_138 : memref<100001x128xf32, #tpu.memory_space<hbm>>) dst(%dma_wait3A_132 : memref<64x128xf32, #tpu.memory_space<vmem>>)
    %add3A_139 = arith.constant 5760 : i32
    %add3A_140 = arith.addi %mul3A_4, %add3A_139 : i32
    %dma_start3A_141 = arith.constant 0 : i32
    %dma_start3A_142 = arith.constant 0 : i32
    %dma_start3A_143 = arith.constant 0 : i32
    %dma_start3A_144 = tpu.memref_slice %arg6[%dma_start3A_141, %dma_start3A_142, %dma_start3A_143] : memref<10x64x128xf32, #tpu.memory_space<vmem>> -> memref<1x64x128xf32, #tpu.memory_space<vmem>>
    %dma_start3A_145 = tpu.memref_squeeze %dma_start3A_144 : memref<1x64x128xf32, #tpu.memory_space<vmem>> -> memref<64x128xf32, #tpu.memory_space<vmem>>
    %dma_start3A_146 = arith.constant 0 : i32
    %dma_start3A_147 = tpu.memref_slice %arg4[%add3A_140, %dma_start3A_146] : memref<204800x128xf32, #tpu.memory_space<hbm>> -> memref<64x128xf32, #tpu.memory_space<hbm>>
    %dma_start3A_148 = arith.constant 0 : i32
    %dma_start3A_149 = tpu.memref_slice %arg4[%add3A_140, %dma_start3A_148] : memref<204800x128xf32, #tpu.memory_space<hbm>> -> memref<64x128xf32, #tpu.memory_space<hbm>>
    %dma_start3A_150 = arith.constant 0 : i32
    %dma_start3A_151 = arith.constant 0 : i32
    %dma_start3A_152 = tpu.memref_slice %arg6[%dma_start3A_141, %dma_start3A_150, %dma_start3A_151] : memref<10x64x128xf32, #tpu.memory_space<vmem>> -> memref<1x64x128xf32, #tpu.memory_space<vmem>>
    %dma_start3A_153 = tpu.memref_squeeze %dma_start3A_152 : memref<1x64x128xf32, #tpu.memory_space<vmem>> -> memref<64x128xf32, #tpu.memory_space<vmem>>
    tpu.enqueue_dma source(%dma_start3A_153 : memref<64x128xf32, #tpu.memory_space<vmem>>) target(%dma_start3A_149 : memref<64x128xf32, #tpu.memory_space<hbm>>) target_semaphore(%arg17 : memref<!tpu.dma_semaphore, #tpu.memory_space<semaphore_mem>>)
    %dma_wait3A_154 = arith.constant 91 : i32
    %dma_wait3A_155 = arith.constant 1 : i32
    %dma_wait3A_156 = arith.constant 0 : i32
    %dma_wait3A_157 = arith.constant 0 : i32
    %dma_wait3A_158 = tpu.memref_slice %arg6[%dma_wait3A_155, %dma_wait3A_156, %dma_wait3A_157] : memref<10x64x128xf32, #tpu.memory_space<vmem>> -> memref<1x64x128xf32, #tpu.memory_space<vmem>>
    %dma_wait3A_159 = tpu.memref_squeeze %dma_wait3A_158 : memref<1x64x128xf32, #tpu.memory_space<vmem>> -> memref<64x128xf32, #tpu.memory_space<vmem>>
    %dma_wait3A_160 = arith.constant 0 : i32
    %dma_wait3A_161 = tpu.memref_slice %arg5[%dma_wait3A_154, %dma_wait3A_160] : memref<100x64xi32, #tpu.memory_space<vmem>> -> memref<1x64xi32, #tpu.memory_space<vmem>>
    %dma_wait3A_162 = tpu.memref_squeeze %dma_wait3A_161 : memref<1x64xi32, #tpu.memory_space<vmem>> -> memref<64xi32, #tpu.memory_space<vmem>>
    %dma_wait3A_163 = arith.constant 0 : i32
    %dma_wait3A_164 = arith.constant 0 : i32
    %dma_wait3A_165 = tpu.memref_slice %arg2[%dma_wait3A_163, %dma_wait3A_164] : memref<100001x128xf32, #tpu.memory_space<hbm>> -> memref<100001x128xf32, #tpu.memory_space<hbm>>
    tpu.wait_indirect_dma semaphore(%arg8 : memref<!tpu.dma_semaphore, #tpu.memory_space<semaphore_mem>>) src(%dma_wait3A_165 : memref<100001x128xf32, #tpu.memory_space<hbm>>) dst(%dma_wait3A_159 : memref<64x128xf32, #tpu.memory_space<vmem>>)
    %add3A_166 = arith.constant 5824 : i32
    %add3A_167 = arith.addi %mul3A_4, %add3A_166 : i32
    %dma_start3A_168 = arith.constant 1 : i32
    %dma_start3A_169 = arith.constant 0 : i32
    %dma_start3A_170 = arith.constant 0 : i32
    %dma_start3A_171 = tpu.memref_slice %arg6[%dma_start3A_168, %dma_start3A_169, %dma_start3A_170] : memref<10x64x128xf32, #tpu.memory_space<vmem>> -> memref<1x64x128xf32, #tpu.memory_space<vmem>>
    %dma_start3A_172 = tpu.memref_squeeze %dma_start3A_171 : memref<1x64x128xf32, #tpu.memory_space<vmem>> -> memref<64x128xf32, #tpu.memory_space<vmem>>
    %dma_start3A_173 = arith.constant 0 : i32
    %dma_start3A_174 = tpu.memref_slice %arg4[%add3A_167, %dma_start3A_173] : memref<204800x128xf32, #tpu.memory_space<hbm>> -> memref<64x128xf32, #tpu.memory_space<hbm>>
    %dma_start3A_175 = arith.constant 0 : i32
    %dma_start3A_176 = tpu.memref_slice %arg4[%add3A_167, %dma_start3A_175] : memref<204800x128xf32, #tpu.memory_space<hbm>> -> memref<64x128xf32, #tpu.memory_space<hbm>>
    %dma_start3A_177 = arith.constant 0 : i32
    %dma_start3A_178 = arith.constant 0 : i32
    %dma_start3A_179 = tpu.memref_slice %arg6[%dma_start3A_168, %dma_start3A_177, %dma_start3A_178] : memref<10x64x128xf32, #tpu.memory_space<vmem>> -> memref<1x64x128xf32, #tpu.memory_space<vmem>>
    %dma_start3A_180 = tpu.memref_squeeze %dma_start3A_179 : memref<1x64x128xf32, #tpu.memory_space<vmem>> -> memref<64x128xf32, #tpu.memory_space<vmem>>
    tpu.enqueue_dma source(%dma_start3A_180 : memref<64x128xf32, #tpu.memory_space<vmem>>) target(%dma_start3A_176 : memref<64x128xf32, #tpu.memory_space<hbm>>) target_semaphore(%arg18 : memref<!tpu.dma_semaphore, #tpu.memory_space<semaphore_mem>>)
    %dma_wait3A_181 = arith.constant 92 : i32
    %dma_wait3A_182 = arith.constant 2 : i32
    %dma_wait3A_183 = arith.constant 0 : i32
    %dma_wait3A_184 = arith.constant 0 : i32
    %dma_wait3A_185 = tpu.memref_slice %arg6[%dma_wait3A_182, %dma_wait3A_183, %dma_wait3A_184] : memref<10x64x128xf32, #tpu.memory_space<vmem>> -> memref<1x64x128xf32, #tpu.memory_space<vmem>>
    %dma_wait3A_186 = tpu.memref_squeeze %dma_wait3A_185 : memref<1x64x128xf32, #tpu.memory_space<vmem>> -> memref<64x128xf32, #tpu.memory_space<vmem>>
    %dma_wait3A_187 = arith.constant 0 : i32
    %dma_wait3A_188 = tpu.memref_slice %arg5[%dma_wait3A_181, %dma_wait3A_187] : memref<100x64xi32, #tpu.memory_space<vmem>> -> memref<1x64xi32, #tpu.memory_space<vmem>>
    %dma_wait3A_189 = tpu.memref_squeeze %dma_wait3A_188 : memref<1x64xi32, #tpu.memory_space<vmem>> -> memref<64xi32, #tpu.memory_space<vmem>>
    %dma_wait3A_190 = arith.constant 0 : i32
    %dma_wait3A_191 = arith.constant 0 : i32
    %dma_wait3A_192 = tpu.memref_slice %arg2[%dma_wait3A_190, %dma_wait3A_191] : memref<100001x128xf32, #tpu.memory_space<hbm>> -> memref<100001x128xf32, #tpu.memory_space<hbm>>
    tpu.wait_indirect_dma semaphore(%arg9 : memref<!tpu.dma_semaphore, #tpu.memory_space<semaphore_mem>>) src(%dma_wait3A_192 : memref<100001x128xf32, #tpu.memory_space<hbm>>) dst(%dma_wait3A_186 : memref<64x128xf32, #tpu.memory_space<vmem>>)
    %add3A_193 = arith.constant 5888 : i32
    %add3A_194 = arith.addi %mul3A_4, %add3A_193 : i32
    %dma_start3A_195 = arith.constant 2 : i32
    %dma_start3A_196 = arith.constant 0 : i32
    %dma_start3A_197 = arith.constant 0 : i32
    %dma_start3A_198 = tpu.memref_slice %arg6[%dma_start3A_195, %dma_start3A_196, %dma_start3A_197] : memref<10x64x128xf32, #tpu.memory_space<vmem>> -> memref<1x64x128xf32, #tpu.memory_space<vmem>>
    %dma_start3A_199 = tpu.memref_squeeze %dma_start3A_198 : memref<1x64x128xf32, #tpu.memory_space<vmem>> -> memref<64x128xf32, #tpu.memory_space<vmem>>
    %dma_start3A_200 = arith.constant 0 : i32
    %dma_start3A_201 = tpu.memref_slice %arg4[%add3A_194, %dma_start3A_200] : memref<204800x128xf32, #tpu.memory_space<hbm>> -> memref<64x128xf32, #tpu.memory_space<hbm>>
    %dma_start3A_202 = arith.constant 0 : i32
    %dma_start3A_203 = tpu.memref_slice %arg4[%add3A_194, %dma_start3A_202] : memref<204800x128xf32, #tpu.memory_space<hbm>> -> memref<64x128xf32, #tpu.memory_space<hbm>>
    %dma_start3A_204 = arith.constant 0 : i32
    %dma_start3A_205 = arith.constant 0 : i32
    %dma_start3A_206 = tpu.memref_slice %arg6[%dma_start3A_195, %dma_start3A_204, %dma_start3A_205] : memref<10x64x128xf32, #tpu.memory_space<vmem>> -> memref<1x64x128xf32, #tpu.memory_space<vmem>>
    %dma_start3A_207 = tpu.memref_squeeze %dma_start3A_206 : memref<1x64x128xf32, #tpu.memory_space<vmem>> -> memref<64x128xf32, #tpu.memory_space<vmem>>
    tpu.enqueue_dma source(%dma_start3A_207 : memref<64x128xf32, #tpu.memory_space<vmem>>) target(%dma_start3A_203 : memref<64x128xf32, #tpu.memory_space<hbm>>) target_semaphore(%arg19 : memref<!tpu.dma_semaphore, #tpu.memory_space<semaphore_mem>>)
    %dma_wait3A_208 = arith.constant 93 : i32
    %dma_wait3A_209 = arith.constant 3 : i32
    %dma_wait3A_210 = arith.constant 0 : i32
    %dma_wait3A_211 = arith.constant 0 : i32
    %dma_wait3A_212 = tpu.memref_slice %arg6[%dma_wait3A_209, %dma_wait3A_210, %dma_wait3A_211] : memref<10x64x128xf32, #tpu.memory_space<vmem>> -> memref<1x64x128xf32, #tpu.memory_space<vmem>>
    %dma_wait3A_213 = tpu.memref_squeeze %dma_wait3A_212 : memref<1x64x128xf32, #tpu.memory_space<vmem>> -> memref<64x128xf32, #tpu.memory_space<vmem>>
    %dma_wait3A_214 = arith.constant 0 : i32
    %dma_wait3A_215 = tpu.memref_slice %arg5[%dma_wait3A_208, %dma_wait3A_214] : memref<100x64xi32, #tpu.memory_space<vmem>> -> memref<1x64xi32, #tpu.memory_space<vmem>>
    %dma_wait3A_216 = tpu.memref_squeeze %dma_wait3A_215 : memref<1x64xi32, #tpu.memory_space<vmem>> -> memref<64xi32, #tpu.memory_space<vmem>>
    %dma_wait3A_217 = arith.constant 0 : i32
    %dma_wait3A_218 = arith.constant 0 : i32
    %dma_wait3A_219 = tpu.memref_slice %arg2[%dma_wait3A_217, %dma_wait3A_218] : memref<100001x128xf32, #tpu.memory_space<hbm>> -> memref<100001x128xf32, #tpu.memory_space<hbm>>
    tpu.wait_indirect_dma semaphore(%arg10 : memref<!tpu.dma_semaphore, #tpu.memory_space<semaphore_mem>>) src(%dma_wait3A_219 : memref<100001x128xf32, #tpu.memory_space<hbm>>) dst(%dma_wait3A_213 : memref<64x128xf32, #tpu.memory_space<vmem>>)
    %add3A_220 = arith.constant 5952 : i32
    %add3A_221 = arith.addi %mul3A_4, %add3A_220 : i32
    %dma_start3A_222 = arith.constant 3 : i32
    %dma_start3A_223 = arith.constant 0 : i32
    %dma_start3A_224 = arith.constant 0 : i32
    %dma_start3A_225 = tpu.memref_slice %arg6[%dma_start3A_222, %dma_start3A_223, %dma_start3A_224] : memref<10x64x128xf32, #tpu.memory_space<vmem>> -> memref<1x64x128xf32, #tpu.memory_space<vmem>>
    %dma_start3A_226 = tpu.memref_squeeze %dma_start3A_225 : memref<1x64x128xf32, #tpu.memory_space<vmem>> -> memref<64x128xf32, #tpu.memory_space<vmem>>
    %dma_start3A_227 = arith.constant 0 : i32
    %dma_start3A_228 = tpu.memref_slice %arg4[%add3A_221, %dma_start3A_227] : memref<204800x128xf32, #tpu.memory_space<hbm>> -> memref<64x128xf32, #tpu.memory_space<hbm>>
    %dma_start3A_229 = arith.constant 0 : i32
    %dma_start3A_230 = tpu.memref_slice %arg4[%add3A_221, %dma_start3A_229] : memref<204800x128xf32, #tpu.memory_space<hbm>> -> memref<64x128xf32, #tpu.memory_space<hbm>>
    %dma_start3A_231 = arith.constant 0 : i32
    %dma_start3A_232 = arith.constant 0 : i32
    %dma_start3A_233 = tpu.memref_slice %arg6[%dma_start3A_222, %dma_start3A_231, %dma_start3A_232] : memref<10x64x128xf32, #tpu.memory_space<vmem>> -> memref<1x64x128xf32, #tpu.memory_space<vmem>>
    %dma_start3A_234 = tpu.memref_squeeze %dma_start3A_233 : memref<1x64x128xf32, #tpu.memory_space<vmem>> -> memref<64x128xf32, #tpu.memory_space<vmem>>
    tpu.enqueue_dma source(%dma_start3A_234 : memref<64x128xf32, #tpu.memory_space<vmem>>) target(%dma_start3A_230 : memref<64x128xf32, #tpu.memory_space<hbm>>) target_semaphore(%arg20 : memref<!tpu.dma_semaphore, #tpu.memory_space<semaphore_mem>>)
    %dma_wait3A_235 = arith.constant 94 : i32
    %dma_wait3A_236 = arith.constant 4 : i32
    %dma_wait3A_237 = arith.constant 0 : i32
    %dma_wait3A_238 = arith.constant 0 : i32
    %dma_wait3A_239 = tpu.memref_slice %arg6[%dma_wait3A_236, %dma_wait3A_237, %dma_wait3A_238] : memref<10x64x128xf32, #tpu.memory_space<vmem>> -> memref<1x64x128xf32, #tpu.memory_space<vmem>>
    %dma_wait3A_240 = tpu.memref_squeeze %dma_wait3A_239 : memref<1x64x128xf32, #tpu.memory_space<vmem>> -> memref<64x128xf32, #tpu.memory_space<vmem>>
    %dma_wait3A_241 = arith.constant 0 : i32
    %dma_wait3A_242 = tpu.memref_slice %arg5[%dma_wait3A_235, %dma_wait3A_241] : memref<100x64xi32, #tpu.memory_space<vmem>> -> memref<1x64xi32, #tpu.memory_space<vmem>>
    %dma_wait3A_243 = tpu.memref_squeeze %dma_wait3A_242 : memref<1x64xi32, #tpu.memory_space<vmem>> -> memref<64xi32, #tpu.memory_space<vmem>>
    %dma_wait3A_244 = arith.constant 0 : i32
    %dma_wait3A_245 = arith.constant 0 : i32
    %dma_wait3A_246 = tpu.memref_slice %arg2[%dma_wait3A_244, %dma_wait3A_245] : memref<100001x128xf32, #tpu.memory_space<hbm>> -> memref<100001x128xf32, #tpu.memory_space<hbm>>
    tpu.wait_indirect_dma semaphore(%arg11 : memref<!tpu.dma_semaphore, #tpu.memory_space<semaphore_mem>>) src(%dma_wait3A_246 : memref<100001x128xf32, #tpu.memory_space<hbm>>) dst(%dma_wait3A_240 : memref<64x128xf32, #tpu.memory_space<vmem>>)
    %add3A_247 = arith.constant 6016 : i32
    %add3A_248 = arith.addi %mul3A_4, %add3A_247 : i32
    %dma_start3A_249 = arith.constant 4 : i32
    %dma_start3A_250 = arith.constant 0 : i32
    %dma_start3A_251 = arith.constant 0 : i32
    %dma_start3A_252 = tpu.memref_slice %arg6[%dma_start3A_249, %dma_start3A_250, %dma_start3A_251] : memref<10x64x128xf32, #tpu.memory_space<vmem>> -> memref<1x64x128xf32, #tpu.memory_space<vmem>>
    %dma_start3A_253 = tpu.memref_squeeze %dma_start3A_252 : memref<1x64x128xf32, #tpu.memory_space<vmem>> -> memref<64x128xf32, #tpu.memory_space<vmem>>
    %dma_start3A_254 = arith.constant 0 : i32
    %dma_start3A_255 = tpu.memref_slice %arg4[%add3A_248, %dma_start3A_254] : memref<204800x128xf32, #tpu.memory_space<hbm>> -> memref<64x128xf32, #tpu.memory_space<hbm>>
    %dma_start3A_256 = arith.constant 0 : i32
    %dma_start3A_257 = tpu.memref_slice %arg4[%add3A_248, %dma_start3A_256] : memref<204800x128xf32, #tpu.memory_space<hbm>> -> memref<64x128xf32, #tpu.memory_space<hbm>>
    %dma_start3A_258 = arith.constant 0 : i32
    %dma_start3A_259 = arith.constant 0 : i32
    %dma_start3A_260 = tpu.memref_slice %arg6[%dma_start3A_249, %dma_start3A_258, %dma_start3A_259] : memref<10x64x128xf32, #tpu.memory_space<vmem>> -> memref<1x64x128xf32, #tpu.memory_space<vmem>>
    %dma_start3A_261 = tpu.memref_squeeze %dma_start3A_260 : memref<1x64x128xf32, #tpu.memory_space<vmem>> -> memref<64x128xf32, #tpu.memory_space<vmem>>
    tpu.enqueue_dma source(%dma_start3A_261 : memref<64x128xf32, #tpu.memory_space<vmem>>) target(%dma_start3A_257 : memref<64x128xf32, #tpu.memory_space<hbm>>) target_semaphore(%arg21 : memref<!tpu.dma_semaphore, #tpu.memory_space<semaphore_mem>>)
    %dma_wait3A_262 = arith.constant 95 : i32
    %dma_wait3A_263 = arith.constant 5 : i32
    %dma_wait3A_264 = arith.constant 0 : i32
    %dma_wait3A_265 = arith.constant 0 : i32
    %dma_wait3A_266 = tpu.memref_slice %arg6[%dma_wait3A_263, %dma_wait3A_264, %dma_wait3A_265] : memref<10x64x128xf32, #tpu.memory_space<vmem>> -> memref<1x64x128xf32, #tpu.memory_space<vmem>>
    %dma_wait3A_267 = tpu.memref_squeeze %dma_wait3A_266 : memref<1x64x128xf32, #tpu.memory_space<vmem>> -> memref<64x128xf32, #tpu.memory_space<vmem>>
    %dma_wait3A_268 = arith.constant 0 : i32
    %dma_wait3A_269 = tpu.memref_slice %arg5[%dma_wait3A_262, %dma_wait3A_268] : memref<100x64xi32, #tpu.memory_space<vmem>> -> memref<1x64xi32, #tpu.memory_space<vmem>>
    %dma_wait3A_270 = tpu.memref_squeeze %dma_wait3A_269 : memref<1x64xi32, #tpu.memory_space<vmem>> -> memref<64xi32, #tpu.memory_space<vmem>>
    %dma_wait3A_271 = arith.constant 0 : i32
    %dma_wait3A_272 = arith.constant 0 : i32
    %dma_wait3A_273 = tpu.memref_slice %arg2[%dma_wait3A_271, %dma_wait3A_272] : memref<100001x128xf32, #tpu.memory_space<hbm>> -> memref<100001x128xf32, #tpu.memory_space<hbm>>
    tpu.wait_indirect_dma semaphore(%arg12 : memref<!tpu.dma_semaphore, #tpu.memory_space<semaphore_mem>>) src(%dma_wait3A_273 : memref<100001x128xf32, #tpu.memory_space<hbm>>) dst(%dma_wait3A_267 : memref<64x128xf32, #tpu.memory_space<vmem>>)
    %add3A_274 = arith.constant 6080 : i32
    %add3A_275 = arith.addi %mul3A_4, %add3A_274 : i32
    %dma_start3A_276 = arith.constant 5 : i32
    %dma_start3A_277 = arith.constant 0 : i32
    %dma_start3A_278 = arith.constant 0 : i32
    %dma_start3A_279 = tpu.memref_slice %arg6[%dma_start3A_276, %dma_start3A_277, %dma_start3A_278] : memref<10x64x128xf32, #tpu.memory_space<vmem>> -> memref<1x64x128xf32, #tpu.memory_space<vmem>>
    %dma_start3A_280 = tpu.memref_squeeze %dma_start3A_279 : memref<1x64x128xf32, #tpu.memory_space<vmem>> -> memref<64x128xf32, #tpu.memory_space<vmem>>
    %dma_start3A_281 = arith.constant 0 : i32
    %dma_start3A_282 = tpu.memref_slice %arg4[%add3A_275, %dma_start3A_281] : memref<204800x128xf32, #tpu.memory_space<hbm>> -> memref<64x128xf32, #tpu.memory_space<hbm>>
    %dma_start3A_283 = arith.constant 0 : i32
    %dma_start3A_284 = tpu.memref_slice %arg4[%add3A_275, %dma_start3A_283] : memref<204800x128xf32, #tpu.memory_space<hbm>> -> memref<64x128xf32, #tpu.memory_space<hbm>>
    %dma_start3A_285 = arith.constant 0 : i32
    %dma_start3A_286 = arith.constant 0 : i32
    %dma_start3A_287 = tpu.memref_slice %arg6[%dma_start3A_276, %dma_start3A_285, %dma_start3A_286] : memref<10x64x128xf32, #tpu.memory_space<vmem>> -> memref<1x64x128xf32, #tpu.memory_space<vmem>>
    %dma_start3A_288 = tpu.memref_squeeze %dma_start3A_287 : memref<1x64x128xf32, #tpu.memory_space<vmem>> -> memref<64x128xf32, #tpu.memory_space<vmem>>
    tpu.enqueue_dma source(%dma_start3A_288 : memref<64x128xf32, #tpu.memory_space<vmem>>) target(%dma_start3A_284 : memref<64x128xf32, #tpu.memory_space<hbm>>) target_semaphore(%arg22 : memref<!tpu.dma_semaphore, #tpu.memory_space<semaphore_mem>>)
    %dma_wait3A_289 = arith.constant 96 : i32
    %dma_wait3A_290 = arith.constant 6 : i32
    %dma_wait3A_291 = arith.constant 0 : i32
    %dma_wait3A_292 = arith.constant 0 : i32
    %dma_wait3A_293 = tpu.memref_slice %arg6[%dma_wait3A_290, %dma_wait3A_291, %dma_wait3A_292] : memref<10x64x128xf32, #tpu.memory_space<vmem>> -> memref<1x64x128xf32, #tpu.memory_space<vmem>>
    %dma_wait3A_294 = tpu.memref_squeeze %dma_wait3A_293 : memref<1x64x128xf32, #tpu.memory_space<vmem>> -> memref<64x128xf32, #tpu.memory_space<vmem>>
    %dma_wait3A_295 = arith.constant 0 : i32
    %dma_wait3A_296 = tpu.memref_slice %arg5[%dma_wait3A_289, %dma_wait3A_295] : memref<100x64xi32, #tpu.memory_space<vmem>> -> memref<1x64xi32, #tpu.memory_space<vmem>>
    %dma_wait3A_297 = tpu.memref_squeeze %dma_wait3A_296 : memref<1x64xi32, #tpu.memory_space<vmem>> -> memref<64xi32, #tpu.memory_space<vmem>>
    %dma_wait3A_298 = arith.constant 0 : i32
    %dma_wait3A_299 = arith.constant 0 : i32
    %dma_wait3A_300 = tpu.memref_slice %arg2[%dma_wait3A_298, %dma_wait3A_299] : memref<100001x128xf32, #tpu.memory_space<hbm>> -> memref<100001x128xf32, #tpu.memory_space<hbm>>
    tpu.wait_indirect_dma semaphore(%arg13 : memref<!tpu.dma_semaphore, #tpu.memory_space<semaphore_mem>>) src(%dma_wait3A_300 : memref<100001x128xf32, #tpu.memory_space<hbm>>) dst(%dma_wait3A_294 : memref<64x128xf32, #tpu.memory_space<vmem>>)
    %add3A_301 = arith.constant 6144 : i32
    %add3A_302 = arith.addi %mul3A_4, %add3A_301 : i32
    %dma_start3A_303 = arith.constant 6 : i32
    %dma_start3A_304 = arith.constant 0 : i32
    %dma_start3A_305 = arith.constant 0 : i32
    %dma_start3A_306 = tpu.memref_slice %arg6[%dma_start3A_303, %dma_start3A_304, %dma_start3A_305] : memref<10x64x128xf32, #tpu.memory_space<vmem>> -> memref<1x64x128xf32, #tpu.memory_space<vmem>>
    %dma_start3A_307 = tpu.memref_squeeze %dma_start3A_306 : memref<1x64x128xf32, #tpu.memory_space<vmem>> -> memref<64x128xf32, #tpu.memory_space<vmem>>
    %dma_start3A_308 = arith.constant 0 : i32
    %dma_start3A_309 = tpu.memref_slice %arg4[%add3A_302, %dma_start3A_308] : memref<204800x128xf32, #tpu.memory_space<hbm>> -> memref<64x128xf32, #tpu.memory_space<hbm>>
    %dma_start3A_310 = arith.constant 0 : i32
    %dma_start3A_311 = tpu.memref_slice %arg4[%add3A_302, %dma_start3A_310] : memref<204800x128xf32, #tpu.memory_space<hbm>> -> memref<64x128xf32, #tpu.memory_space<hbm>>
    %dma_start3A_312 = arith.constant 0 : i32
    %dma_start3A_313 = arith.constant 0 : i32
    %dma_start3A_314 = tpu.memref_slice %arg6[%dma_start3A_303, %dma_start3A_312, %dma_start3A_313] : memref<10x64x128xf32, #tpu.memory_space<vmem>> -> memref<1x64x128xf32, #tpu.memory_space<vmem>>
    %dma_start3A_315 = tpu.memref_squeeze %dma_start3A_314 : memref<1x64x128xf32, #tpu.memory_space<vmem>> -> memref<64x128xf32, #tpu.memory_space<vmem>>
    tpu.enqueue_dma source(%dma_start3A_315 : memref<64x128xf32, #tpu.memory_space<vmem>>) target(%dma_start3A_311 : memref<64x128xf32, #tpu.memory_space<hbm>>) target_semaphore(%arg23 : memref<!tpu.dma_semaphore, #tpu.memory_space<semaphore_mem>>)
    %dma_wait3A_316 = arith.constant 97 : i32
    %dma_wait3A_317 = arith.constant 7 : i32
    %dma_wait3A_318 = arith.constant 0 : i32
    %dma_wait3A_319 = arith.constant 0 : i32
    %dma_wait3A_320 = tpu.memref_slice %arg6[%dma_wait3A_317, %dma_wait3A_318, %dma_wait3A_319] : memref<10x64x128xf32, #tpu.memory_space<vmem>> -> memref<1x64x128xf32, #tpu.memory_space<vmem>>
    %dma_wait3A_321 = tpu.memref_squeeze %dma_wait3A_320 : memref<1x64x128xf32, #tpu.memory_space<vmem>> -> memref<64x128xf32, #tpu.memory_space<vmem>>
    %dma_wait3A_322 = arith.constant 0 : i32
    %dma_wait3A_323 = tpu.memref_slice %arg5[%dma_wait3A_316, %dma_wait3A_322] : memref<100x64xi32, #tpu.memory_space<vmem>> -> memref<1x64xi32, #tpu.memory_space<vmem>>
    %dma_wait3A_324 = tpu.memref_squeeze %dma_wait3A_323 : memref<1x64xi32, #tpu.memory_space<vmem>> -> memref<64xi32, #tpu.memory_space<vmem>>
    %dma_wait3A_325 = arith.constant 0 : i32
    %dma_wait3A_326 = arith.constant 0 : i32
    %dma_wait3A_327 = tpu.memref_slice %arg2[%dma_wait3A_325, %dma_wait3A_326] : memref<100001x128xf32, #tpu.memory_space<hbm>> -> memref<100001x128xf32, #tpu.memory_space<hbm>>
    tpu.wait_indirect_dma semaphore(%arg14 : memref<!tpu.dma_semaphore, #tpu.memory_space<semaphore_mem>>) src(%dma_wait3A_327 : memref<100001x128xf32, #tpu.memory_space<hbm>>) dst(%dma_wait3A_321 : memref<64x128xf32, #tpu.memory_space<vmem>>)
    %add3A_328 = arith.constant 6208 : i32
    %add3A_329 = arith.addi %mul3A_4, %add3A_328 : i32
    %dma_start3A_330 = arith.constant 7 : i32
    %dma_start3A_331 = arith.constant 0 : i32
    %dma_start3A_332 = arith.constant 0 : i32
    %dma_start3A_333 = tpu.memref_slice %arg6[%dma_start3A_330, %dma_start3A_331, %dma_start3A_332] : memref<10x64x128xf32, #tpu.memory_space<vmem>> -> memref<1x64x128xf32, #tpu.memory_space<vmem>>
    %dma_start3A_334 = tpu.memref_squeeze %dma_start3A_333 : memref<1x64x128xf32, #tpu.memory_space<vmem>> -> memref<64x128xf32, #tpu.memory_space<vmem>>
    %dma_start3A_335 = arith.constant 0 : i32
    %dma_start3A_336 = tpu.memref_slice %arg4[%add3A_329, %dma_start3A_335] : memref<204800x128xf32, #tpu.memory_space<hbm>> -> memref<64x128xf32, #tpu.memory_space<hbm>>
    %dma_start3A_337 = arith.constant 0 : i32
    %dma_start3A_338 = tpu.memref_slice %arg4[%add3A_329, %dma_start3A_337] : memref<204800x128xf32, #tpu.memory_space<hbm>> -> memref<64x128xf32, #tpu.memory_space<hbm>>
    %dma_start3A_339 = arith.constant 0 : i32
    %dma_start3A_340 = arith.constant 0 : i32
    %dma_start3A_341 = tpu.memref_slice %arg6[%dma_start3A_330, %dma_start3A_339, %dma_start3A_340] : memref<10x64x128xf32, #tpu.memory_space<vmem>> -> memref<1x64x128xf32, #tpu.memory_space<vmem>>
    %dma_start3A_342 = tpu.memref_squeeze %dma_start3A_341 : memref<1x64x128xf32, #tpu.memory_space<vmem>> -> memref<64x128xf32, #tpu.memory_space<vmem>>
    tpu.enqueue_dma source(%dma_start3A_342 : memref<64x128xf32, #tpu.memory_space<vmem>>) target(%dma_start3A_338 : memref<64x128xf32, #tpu.memory_space<hbm>>) target_semaphore(%arg24 : memref<!tpu.dma_semaphore, #tpu.memory_space<semaphore_mem>>)
    %dma_wait3A_343 = arith.constant 98 : i32
    %dma_wait3A_344 = arith.constant 8 : i32
    %dma_wait3A_345 = arith.constant 0 : i32
    %dma_wait3A_346 = arith.constant 0 : i32
    %dma_wait3A_347 = tpu.memref_slice %arg6[%dma_wait3A_344, %dma_wait3A_345, %dma_wait3A_346] : memref<10x64x128xf32, #tpu.memory_space<vmem>> -> memref<1x64x128xf32, #tpu.memory_space<vmem>>
    %dma_wait3A_348 = tpu.memref_squeeze %dma_wait3A_347 : memref<1x64x128xf32, #tpu.memory_space<vmem>> -> memref<64x128xf32, #tpu.memory_space<vmem>>
    %dma_wait3A_349 = arith.constant 0 : i32
    %dma_wait3A_350 = tpu.memref_slice %arg5[%dma_wait3A_343, %dma_wait3A_349] : memref<100x64xi32, #tpu.memory_space<vmem>> -> memref<1x64xi32, #tpu.memory_space<vmem>>
    %dma_wait3A_351 = tpu.memref_squeeze %dma_wait3A_350 : memref<1x64xi32, #tpu.memory_space<vmem>> -> memref<64xi32, #tpu.memory_space<vmem>>
    %dma_wait3A_352 = arith.constant 0 : i32
    %dma_wait3A_353 = arith.constant 0 : i32
    %dma_wait3A_354 = tpu.memref_slice %arg2[%dma_wait3A_352, %dma_wait3A_353] : memref<100001x128xf32, #tpu.memory_space<hbm>> -> memref<100001x128xf32, #tpu.memory_space<hbm>>
    tpu.wait_indirect_dma semaphore(%arg15 : memref<!tpu.dma_semaphore, #tpu.memory_space<semaphore_mem>>) src(%dma_wait3A_354 : memref<100001x128xf32, #tpu.memory_space<hbm>>) dst(%dma_wait3A_348 : memref<64x128xf32, #tpu.memory_space<vmem>>)
    %add3A_355 = arith.constant 6272 : i32
    %add3A_356 = arith.addi %mul3A_4, %add3A_355 : i32
    %dma_start3A_357 = arith.constant 8 : i32
    %dma_start3A_358 = arith.constant 0 : i32
    %dma_start3A_359 = arith.constant 0 : i32
    %dma_start3A_360 = tpu.memref_slice %arg6[%dma_start3A_357, %dma_start3A_358, %dma_start3A_359] : memref<10x64x128xf32, #tpu.memory_space<vmem>> -> memref<1x64x128xf32, #tpu.memory_space<vmem>>
    %dma_start3A_361 = tpu.memref_squeeze %dma_start3A_360 : memref<1x64x128xf32, #tpu.memory_space<vmem>> -> memref<64x128xf32, #tpu.memory_space<vmem>>
    %dma_start3A_362 = arith.constant 0 : i32
    %dma_start3A_363 = tpu.memref_slice %arg4[%add3A_356, %dma_start3A_362] : memref<204800x128xf32, #tpu.memory_space<hbm>> -> memref<64x128xf32, #tpu.memory_space<hbm>>
    %dma_start3A_364 = arith.constant 0 : i32
    %dma_start3A_365 = tpu.memref_slice %arg4[%add3A_356, %dma_start3A_364] : memref<204800x128xf32, #tpu.memory_space<hbm>> -> memref<64x128xf32, #tpu.memory_space<hbm>>
    %dma_start3A_366 = arith.constant 0 : i32
    %dma_start3A_367 = arith.constant 0 : i32
    %dma_start3A_368 = tpu.memref_slice %arg6[%dma_start3A_357, %dma_start3A_366, %dma_start3A_367] : memref<10x64x128xf32, #tpu.memory_space<vmem>> -> memref<1x64x128xf32, #tpu.memory_space<vmem>>
    %dma_start3A_369 = tpu.memref_squeeze %dma_start3A_368 : memref<1x64x128xf32, #tpu.memory_space<vmem>> -> memref<64x128xf32, #tpu.memory_space<vmem>>
    tpu.enqueue_dma source(%dma_start3A_369 : memref<64x128xf32, #tpu.memory_space<vmem>>) target(%dma_start3A_365 : memref<64x128xf32, #tpu.memory_space<hbm>>) target_semaphore(%arg25 : memref<!tpu.dma_semaphore, #tpu.memory_space<semaphore_mem>>)
    %dma_wait3A_370 = arith.constant 99 : i32
    %dma_wait3A_371 = arith.constant 9 : i32
    %dma_wait3A_372 = arith.constant 0 : i32
    %dma_wait3A_373 = arith.constant 0 : i32
    %dma_wait3A_374 = tpu.memref_slice %arg6[%dma_wait3A_371, %dma_wait3A_372, %dma_wait3A_373] : memref<10x64x128xf32, #tpu.memory_space<vmem>> -> memref<1x64x128xf32, #tpu.memory_space<vmem>>
    %dma_wait3A_375 = tpu.memref_squeeze %dma_wait3A_374 : memref<1x64x128xf32, #tpu.memory_space<vmem>> -> memref<64x128xf32, #tpu.memory_space<vmem>>
    %dma_wait3A_376 = arith.constant 0 : i32
    %dma_wait3A_377 = tpu.memref_slice %arg5[%dma_wait3A_370, %dma_wait3A_376] : memref<100x64xi32, #tpu.memory_space<vmem>> -> memref<1x64xi32, #tpu.memory_space<vmem>>
    %dma_wait3A_378 = tpu.memref_squeeze %dma_wait3A_377 : memref<1x64xi32, #tpu.memory_space<vmem>> -> memref<64xi32, #tpu.memory_space<vmem>>
    %dma_wait3A_379 = arith.constant 0 : i32
    %dma_wait3A_380 = arith.constant 0 : i32
    %dma_wait3A_381 = tpu.memref_slice %arg2[%dma_wait3A_379, %dma_wait3A_380] : memref<100001x128xf32, #tpu.memory_space<hbm>> -> memref<100001x128xf32, #tpu.memory_space<hbm>>
    tpu.wait_indirect_dma semaphore(%arg16 : memref<!tpu.dma_semaphore, #tpu.memory_space<semaphore_mem>>) src(%dma_wait3A_381 : memref<100001x128xf32, #tpu.memory_space<hbm>>) dst(%dma_wait3A_375 : memref<64x128xf32, #tpu.memory_space<vmem>>)
    %add3A_382 = arith.constant 6336 : i32
    %add3A_383 = arith.addi %mul3A_4, %add3A_382 : i32
    %dma_start3A_384 = arith.constant 9 : i32
    %dma_start3A_385 = arith.constant 0 : i32
    %dma_start3A_386 = arith.constant 0 : i32
    %dma_start3A_387 = tpu.memref_slice %arg6[%dma_start3A_384, %dma_start3A_385, %dma_start3A_386] : memref<10x64x128xf32, #tpu.memory_space<vmem>> -> memref<1x64x128xf32, #tpu.memory_space<vmem>>
    %dma_start3A_388 = tpu.memref_squeeze %dma_start3A_387 : memref<1x64x128xf32, #tpu.memory_space<vmem>> -> memref<64x128xf32, #tpu.memory_space<vmem>>
    %dma_start3A_389 = arith.constant 0 : i32
    %dma_start3A_390 = tpu.memref_slice %arg4[%add3A_383, %dma_start3A_389] : memref<204800x128xf32, #tpu.memory_space<hbm>> -> memref<64x128xf32, #tpu.memory_space<hbm>>
    %dma_start3A_391 = arith.constant 0 : i32
    %dma_start3A_392 = tpu.memref_slice %arg4[%add3A_383, %dma_start3A_391] : memref<204800x128xf32, #tpu.memory_space<hbm>> -> memref<64x128xf32, #tpu.memory_space<hbm>>
    %dma_start3A_393 = arith.constant 0 : i32
    %dma_start3A_394 = arith.constant 0 : i32
    %dma_start3A_395 = tpu.memref_slice %arg6[%dma_start3A_384, %dma_start3A_393, %dma_start3A_394] : memref<10x64x128xf32, #tpu.memory_space<vmem>> -> memref<1x64x128xf32, #tpu.memory_space<vmem>>
    %dma_start3A_396 = tpu.memref_squeeze %dma_start3A_395 : memref<1x64x128xf32, #tpu.memory_space<vmem>> -> memref<64x128xf32, #tpu.memory_space<vmem>>
    tpu.enqueue_dma source(%dma_start3A_396 : memref<64x128xf32, #tpu.memory_space<vmem>>) target(%dma_start3A_392 : memref<64x128xf32, #tpu.memory_space<hbm>>) target_semaphore(%arg26 : memref<!tpu.dma_semaphore, #tpu.memory_space<semaphore_mem>>)
    %add3A_397 = arith.constant 5760 : i32
    %add3A_398 = arith.addi %mul3A_4, %add3A_397 : i32
    %dma_wait3A_399 = arith.constant 0 : i32
    %dma_wait3A_400 = arith.constant 0 : i32
    %dma_wait3A_401 = arith.constant 0 : i32
    %dma_wait3A_402 = tpu.memref_slice %arg6[%dma_wait3A_399, %dma_wait3A_400, %dma_wait3A_401] : memref<10x64x128xf32, #tpu.memory_space<vmem>> -> memref<1x64x128xf32, #tpu.memory_space<vmem>>
    %dma_wait3A_403 = tpu.memref_squeeze %dma_wait3A_402 : memref<1x64x128xf32, #tpu.memory_space<vmem>> -> memref<64x128xf32, #tpu.memory_space<vmem>>
    %dma_wait3A_404 = arith.constant 0 : i32
    %dma_wait3A_405 = tpu.memref_slice %arg4[%add3A_398, %dma_wait3A_404] : memref<204800x128xf32, #tpu.memory_space<hbm>> -> memref<64x128xf32, #tpu.memory_space<hbm>>
    %dma_wait3A_406 = arith.constant 0 : i32
    %dma_wait3A_407 = tpu.memref_slice %arg4[%add3A_398, %dma_wait3A_406] : memref<204800x128xf32, #tpu.memory_space<hbm>> -> memref<64x128xf32, #tpu.memory_space<hbm>>
    %dma_wait3A_408 = arith.constant 0 : i32
    %dma_wait3A_409 = arith.constant 0 : i32
    %dma_wait3A_410 = tpu.memref_slice %arg6[%dma_wait3A_399, %dma_wait3A_408, %dma_wait3A_409] : memref<10x64x128xf32, #tpu.memory_space<vmem>> -> memref<1x64x128xf32, #tpu.memory_space<vmem>>
    %dma_wait3A_411 = tpu.memref_squeeze %dma_wait3A_410 : memref<1x64x128xf32, #tpu.memory_space<vmem>> -> memref<64x128xf32, #tpu.memory_space<vmem>>
    tpu.wait_dma2 semaphore(%arg17 : memref<!tpu.dma_semaphore, #tpu.memory_space<semaphore_mem>>) src(%dma_wait3A_411 : memref<64x128xf32, #tpu.memory_space<vmem>>) dst(%dma_wait3A_407 : memref<64x128xf32, #tpu.memory_space<hbm>>)
    %add3A_412 = arith.constant 5824 : i32
    %add3A_413 = arith.addi %mul3A_4, %add3A_412 : i32
    %dma_wait3A_414 = arith.constant 1 : i32
    %dma_wait3A_415 = arith.constant 0 : i32
    %dma_wait3A_416 = arith.constant 0 : i32
    %dma_wait3A_417 = tpu.memref_slice %arg6[%dma_wait3A_414, %dma_wait3A_415, %dma_wait3A_416] : memref<10x64x128xf32, #tpu.memory_space<vmem>> -> memref<1x64x128xf32, #tpu.memory_space<vmem>>
    %dma_wait3A_418 = tpu.memref_squeeze %dma_wait3A_417 : memref<1x64x128xf32, #tpu.memory_space<vmem>> -> memref<64x128xf32, #tpu.memory_space<vmem>>
    %dma_wait3A_419 = arith.constant 0 : i32
    %dma_wait3A_420 = tpu.memref_slice %arg4[%add3A_413, %dma_wait3A_419] : memref<204800x128xf32, #tpu.memory_space<hbm>> -> memref<64x128xf32, #tpu.memory_space<hbm>>
    %dma_wait3A_421 = arith.constant 0 : i32
    %dma_wait3A_422 = tpu.memref_slice %arg4[%add3A_413, %dma_wait3A_421] : memref<204800x128xf32, #tpu.memory_space<hbm>> -> memref<64x128xf32, #tpu.memory_space<hbm>>
    %dma_wait3A_423 = arith.constant 0 : i32
    %dma_wait3A_424 = arith.constant 0 : i32
    %dma_wait3A_425 = tpu.memref_slice %arg6[%dma_wait3A_414, %dma_wait3A_423, %dma_wait3A_424] : memref<10x64x128xf32, #tpu.memory_space<vmem>> -> memref<1x64x128xf32, #tpu.memory_space<vmem>>
    %dma_wait3A_426 = tpu.memref_squeeze %dma_wait3A_425 : memref<1x64x128xf32, #tpu.memory_space<vmem>> -> memref<64x128xf32, #tpu.memory_space<vmem>>
    tpu.wait_dma2 semaphore(%arg18 : memref<!tpu.dma_semaphore, #tpu.memory_space<semaphore_mem>>) src(%dma_wait3A_426 : memref<64x128xf32, #tpu.memory_space<vmem>>) dst(%dma_wait3A_422 : memref<64x128xf32, #tpu.memory_space<hbm>>)
    %add3A_427 = arith.constant 5888 : i32
    %add3A_428 = arith.addi %mul3A_4, %add3A_427 : i32
    %dma_wait3A_429 = arith.constant 2 : i32
    %dma_wait3A_430 = arith.constant 0 : i32
    %dma_wait3A_431 = arith.constant 0 : i32
    %dma_wait3A_432 = tpu.memref_slice %arg6[%dma_wait3A_429, %dma_wait3A_430, %dma_wait3A_431] : memref<10x64x128xf32, #tpu.memory_space<vmem>> -> memref<1x64x128xf32, #tpu.memory_space<vmem>>
    %dma_wait3A_433 = tpu.memref_squeeze %dma_wait3A_432 : memref<1x64x128xf32, #tpu.memory_space<vmem>> -> memref<64x128xf32, #tpu.memory_space<vmem>>
    %dma_wait3A_434 = arith.constant 0 : i32
    %dma_wait3A_435 = tpu.memref_slice %arg4[%add3A_428, %dma_wait3A_434] : memref<204800x128xf32, #tpu.memory_space<hbm>> -> memref<64x128xf32, #tpu.memory_space<hbm>>
    %dma_wait3A_436 = arith.constant 0 : i32
    %dma_wait3A_437 = tpu.memref_slice %arg4[%add3A_428, %dma_wait3A_436] : memref<204800x128xf32, #tpu.memory_space<hbm>> -> memref<64x128xf32, #tpu.memory_space<hbm>>
    %dma_wait3A_438 = arith.constant 0 : i32
    %dma_wait3A_439 = arith.constant 0 : i32
    %dma_wait3A_440 = tpu.memref_slice %arg6[%dma_wait3A_429, %dma_wait3A_438, %dma_wait3A_439] : memref<10x64x128xf32, #tpu.memory_space<vmem>> -> memref<1x64x128xf32, #tpu.memory_space<vmem>>
    %dma_wait3A_441 = tpu.memref_squeeze %dma_wait3A_440 : memref<1x64x128xf32, #tpu.memory_space<vmem>> -> memref<64x128xf32, #tpu.memory_space<vmem>>
    tpu.wait_dma2 semaphore(%arg19 : memref<!tpu.dma_semaphore, #tpu.memory_space<semaphore_mem>>) src(%dma_wait3A_441 : memref<64x128xf32, #tpu.memory_space<vmem>>) dst(%dma_wait3A_437 : memref<64x128xf32, #tpu.memory_space<hbm>>)
    %add3A_442 = arith.constant 5952 : i32
    %add3A_443 = arith.addi %mul3A_4, %add3A_442 : i32
    %dma_wait3A_444 = arith.constant 3 : i32
    %dma_wait3A_445 = arith.constant 0 : i32
    %dma_wait3A_446 = arith.constant 0 : i32
    %dma_wait3A_447 = tpu.memref_slice %arg6[%dma_wait3A_444, %dma_wait3A_445, %dma_wait3A_446] : memref<10x64x128xf32, #tpu.memory_space<vmem>> -> memref<1x64x128xf32, #tpu.memory_space<vmem>>
    %dma_wait3A_448 = tpu.memref_squeeze %dma_wait3A_447 : memref<1x64x128xf32, #tpu.memory_space<vmem>> -> memref<64x128xf32, #tpu.memory_space<vmem>>
    %dma_wait3A_449 = arith.constant 0 : i32
    %dma_wait3A_450 = tpu.memref_slice %arg4[%add3A_443, %dma_wait3A_449] : memref<204800x128xf32, #tpu.memory_space<hbm>> -> memref<64x128xf32, #tpu.memory_space<hbm>>
    %dma_wait3A_451 = arith.constant 0 : i32
    %dma_wait3A_452 = tpu.memref_slice %arg4[%add3A_443, %dma_wait3A_451] : memref<204800x128xf32, #tpu.memory_space<hbm>> -> memref<64x128xf32, #tpu.memory_space<hbm>>
    %dma_wait3A_453 = arith.constant 0 : i32
    %dma_wait3A_454 = arith.constant 0 : i32
    %dma_wait3A_455 = tpu.memref_slice %arg6[%dma_wait3A_444, %dma_wait3A_453, %dma_wait3A_454] : memref<10x64x128xf32, #tpu.memory_space<vmem>> -> memref<1x64x128xf32, #tpu.memory_space<vmem>>
    %dma_wait3A_456 = tpu.memref_squeeze %dma_wait3A_455 : memref<1x64x128xf32, #tpu.memory_space<vmem>> -> memref<64x128xf32, #tpu.memory_space<vmem>>
    tpu.wait_dma2 semaphore(%arg20 : memref<!tpu.dma_semaphore, #tpu.memory_space<semaphore_mem>>) src(%dma_wait3A_456 : memref<64x128xf32, #tpu.memory_space<vmem>>) dst(%dma_wait3A_452 : memref<64x128xf32, #tpu.memory_space<hbm>>)
    %add3A_457 = arith.constant 6016 : i32
    %add3A_458 = arith.addi %mul3A_4, %add3A_457 : i32
    %dma_wait3A_459 = arith.constant 4 : i32
    %dma_wait3A_460 = arith.constant 0 : i32
    %dma_wait3A_461 = arith.constant 0 : i32
    %dma_wait3A_462 = tpu.memref_slice %arg6[%dma_wait3A_459, %dma_wait3A_460, %dma_wait3A_461] : memref<10x64x128xf32, #tpu.memory_space<vmem>> -> memref<1x64x128xf32, #tpu.memory_space<vmem>>
    %dma_wait3A_463 = tpu.memref_squeeze %dma_wait3A_462 : memref<1x64x128xf32, #tpu.memory_space<vmem>> -> memref<64x128xf32, #tpu.memory_space<vmem>>
    %dma_wait3A_464 = arith.constant 0 : i32
    %dma_wait3A_465 = tpu.memref_slice %arg4[%add3A_458, %dma_wait3A_464] : memref<204800x128xf32, #tpu.memory_space<hbm>> -> memref<64x128xf32, #tpu.memory_space<hbm>>
    %dma_wait3A_466 = arith.constant 0 : i32
    %dma_wait3A_467 = tpu.memref_slice %arg4[%add3A_458, %dma_wait3A_466] : memref<204800x128xf32, #tpu.memory_space<hbm>> -> memref<64x128xf32, #tpu.memory_space<hbm>>
    %dma_wait3A_468 = arith.constant 0 : i32
    %dma_wait3A_469 = arith.constant 0 : i32
    %dma_wait3A_470 = tpu.memref_slice %arg6[%dma_wait3A_459, %dma_wait3A_468, %dma_wait3A_469] : memref<10x64x128xf32, #tpu.memory_space<vmem>> -> memref<1x64x128xf32, #tpu.memory_space<vmem>>
    %dma_wait3A_471 = tpu.memref_squeeze %dma_wait3A_470 : memref<1x64x128xf32, #tpu.memory_space<vmem>> -> memref<64x128xf32, #tpu.memory_space<vmem>>
    tpu.wait_dma2 semaphore(%arg21 : memref<!tpu.dma_semaphore, #tpu.memory_space<semaphore_mem>>) src(%dma_wait3A_471 : memref<64x128xf32, #tpu.memory_space<vmem>>) dst(%dma_wait3A_467 : memref<64x128xf32, #tpu.memory_space<hbm>>)
    %add3A_472 = arith.constant 6080 : i32
    %add3A_473 = arith.addi %mul3A_4, %add3A_472 : i32
    %dma_wait3A_474 = arith.constant 5 : i32
    %dma_wait3A_475 = arith.constant 0 : i32
    %dma_wait3A_476 = arith.constant 0 : i32
    %dma_wait3A_477 = tpu.memref_slice %arg6[%dma_wait3A_474, %dma_wait3A_475, %dma_wait3A_476] : memref<10x64x128xf32, #tpu.memory_space<vmem>> -> memref<1x64x128xf32, #tpu.memory_space<vmem>>
    %dma_wait3A_478 = tpu.memref_squeeze %dma_wait3A_477 : memref<1x64x128xf32, #tpu.memory_space<vmem>> -> memref<64x128xf32, #tpu.memory_space<vmem>>
    %dma_wait3A_479 = arith.constant 0 : i32
    %dma_wait3A_480 = tpu.memref_slice %arg4[%add3A_473, %dma_wait3A_479] : memref<204800x128xf32, #tpu.memory_space<hbm>> -> memref<64x128xf32, #tpu.memory_space<hbm>>
    %dma_wait3A_481 = arith.constant 0 : i32
    %dma_wait3A_482 = tpu.memref_slice %arg4[%add3A_473, %dma_wait3A_481] : memref<204800x128xf32, #tpu.memory_space<hbm>> -> memref<64x128xf32, #tpu.memory_space<hbm>>
    %dma_wait3A_483 = arith.constant 0 : i32
    %dma_wait3A_484 = arith.constant 0 : i32
    %dma_wait3A_485 = tpu.memref_slice %arg6[%dma_wait3A_474, %dma_wait3A_483, %dma_wait3A_484] : memref<10x64x128xf32, #tpu.memory_space<vmem>> -> memref<1x64x128xf32, #tpu.memory_space<vmem>>
    %dma_wait3A_486 = tpu.memref_squeeze %dma_wait3A_485 : memref<1x64x128xf32, #tpu.memory_space<vmem>> -> memref<64x128xf32, #tpu.memory_space<vmem>>
    tpu.wait_dma2 semaphore(%arg22 : memref<!tpu.dma_semaphore, #tpu.memory_space<semaphore_mem>>) src(%dma_wait3A_486 : memref<64x128xf32, #tpu.memory_space<vmem>>) dst(%dma_wait3A_482 : memref<64x128xf32, #tpu.memory_space<hbm>>)
    %add3A_487 = arith.constant 6144 : i32
    %add3A_488 = arith.addi %mul3A_4, %add3A_487 : i32
    %dma_wait3A_489 = arith.constant 6 : i32
    %dma_wait3A_490 = arith.constant 0 : i32
    %dma_wait3A_491 = arith.constant 0 : i32
    %dma_wait3A_492 = tpu.memref_slice %arg6[%dma_wait3A_489, %dma_wait3A_490, %dma_wait3A_491] : memref<10x64x128xf32, #tpu.memory_space<vmem>> -> memref<1x64x128xf32, #tpu.memory_space<vmem>>
    %dma_wait3A_493 = tpu.memref_squeeze %dma_wait3A_492 : memref<1x64x128xf32, #tpu.memory_space<vmem>> -> memref<64x128xf32, #tpu.memory_space<vmem>>
    %dma_wait3A_494 = arith.constant 0 : i32
    %dma_wait3A_495 = tpu.memref_slice %arg4[%add3A_488, %dma_wait3A_494] : memref<204800x128xf32, #tpu.memory_space<hbm>> -> memref<64x128xf32, #tpu.memory_space<hbm>>
    %dma_wait3A_496 = arith.constant 0 : i32
    %dma_wait3A_497 = tpu.memref_slice %arg4[%add3A_488, %dma_wait3A_496] : memref<204800x128xf32, #tpu.memory_space<hbm>> -> memref<64x128xf32, #tpu.memory_space<hbm>>
    %dma_wait3A_498 = arith.constant 0 : i32
    %dma_wait3A_499 = arith.constant 0 : i32
    %dma_wait3A_500 = tpu.memref_slice %arg6[%dma_wait3A_489, %dma_wait3A_498, %dma_wait3A_499] : memref<10x64x128xf32, #tpu.memory_space<vmem>> -> memref<1x64x128xf32, #tpu.memory_space<vmem>>
    %dma_wait3A_501 = tpu.memref_squeeze %dma_wait3A_500 : memref<1x64x128xf32, #tpu.memory_space<vmem>> -> memref<64x128xf32, #tpu.memory_space<vmem>>
    tpu.wait_dma2 semaphore(%arg23 : memref<!tpu.dma_semaphore, #tpu.memory_space<semaphore_mem>>) src(%dma_wait3A_501 : memref<64x128xf32, #tpu.memory_space<vmem>>) dst(%dma_wait3A_497 : memref<64x128xf32, #tpu.memory_space<hbm>>)
    %add3A_502 = arith.constant 6208 : i32
    %add3A_503 = arith.addi %mul3A_4, %add3A_502 : i32
    %dma_wait3A_504 = arith.constant 7 : i32
    %dma_wait3A_505 = arith.constant 0 : i32
    %dma_wait3A_506 = arith.constant 0 : i32
    %dma_wait3A_507 = tpu.memref_slice %arg6[%dma_wait3A_504, %dma_wait3A_505, %dma_wait3A_506] : memref<10x64x128xf32, #tpu.memory_space<vmem>> -> memref<1x64x128xf32, #tpu.memory_space<vmem>>
    %dma_wait3A_508 = tpu.memref_squeeze %dma_wait3A_507 : memref<1x64x128xf32, #tpu.memory_space<vmem>> -> memref<64x128xf32, #tpu.memory_space<vmem>>
    %dma_wait3A_509 = arith.constant 0 : i32
    %dma_wait3A_510 = tpu.memref_slice %arg4[%add3A_503, %dma_wait3A_509] : memref<204800x128xf32, #tpu.memory_space<hbm>> -> memref<64x128xf32, #tpu.memory_space<hbm>>
    %dma_wait3A_511 = arith.constant 0 : i32
    %dma_wait3A_512 = tpu.memref_slice %arg4[%add3A_503, %dma_wait3A_511] : memref<204800x128xf32, #tpu.memory_space<hbm>> -> memref<64x128xf32, #tpu.memory_space<hbm>>
    %dma_wait3A_513 = arith.constant 0 : i32
    %dma_wait3A_514 = arith.constant 0 : i32
    %dma_wait3A_515 = tpu.memref_slice %arg6[%dma_wait3A_504, %dma_wait3A_513, %dma_wait3A_514] : memref<10x64x128xf32, #tpu.memory_space<vmem>> -> memref<1x64x128xf32, #tpu.memory_space<vmem>>
    %dma_wait3A_516 = tpu.memref_squeeze %dma_wait3A_515 : memref<1x64x128xf32, #tpu.memory_space<vmem>> -> memref<64x128xf32, #tpu.memory_space<vmem>>
    tpu.wait_dma2 semaphore(%arg24 : memref<!tpu.dma_semaphore, #tpu.memory_space<semaphore_mem>>) src(%dma_wait3A_516 : memref<64x128xf32, #tpu.memory_space<vmem>>) dst(%dma_wait3A_512 : memref<64x128xf32, #tpu.memory_space<hbm>>)
    %add3A_517 = arith.constant 6272 : i32
    %add3A_518 = arith.addi %mul3A_4, %add3A_517 : i32
    %dma_wait3A_519 = arith.constant 8 : i32
    %dma_wait3A_520 = arith.constant 0 : i32
    %dma_wait3A_521 = arith.constant 0 : i32
    %dma_wait3A_522 = tpu.memref_slice %arg6[%dma_wait3A_519, %dma_wait3A_520, %dma_wait3A_521] : memref<10x64x128xf32, #tpu.memory_space<vmem>> -> memref<1x64x128xf32, #tpu.memory_space<vmem>>
    %dma_wait3A_523 = tpu.memref_squeeze %dma_wait3A_522 : memref<1x64x128xf32, #tpu.memory_space<vmem>> -> memref<64x128xf32, #tpu.memory_space<vmem>>
    %dma_wait3A_524 = arith.constant 0 : i32
    %dma_wait3A_525 = tpu.memref_slice %arg4[%add3A_518, %dma_wait3A_524] : memref<204800x128xf32, #tpu.memory_space<hbm>> -> memref<64x128xf32, #tpu.memory_space<hbm>>
    %dma_wait3A_526 = arith.constant 0 : i32
    %dma_wait3A_527 = tpu.memref_slice %arg4[%add3A_518, %dma_wait3A_526] : memref<204800x128xf32, #tpu.memory_space<hbm>> -> memref<64x128xf32, #tpu.memory_space<hbm>>
    %dma_wait3A_528 = arith.constant 0 : i32
    %dma_wait3A_529 = arith.constant 0 : i32
    %dma_wait3A_530 = tpu.memref_slice %arg6[%dma_wait3A_519, %dma_wait3A_528, %dma_wait3A_529] : memref<10x64x128xf32, #tpu.memory_space<vmem>> -> memref<1x64x128xf32, #tpu.memory_space<vmem>>
    %dma_wait3A_531 = tpu.memref_squeeze %dma_wait3A_530 : memref<1x64x128xf32, #tpu.memory_space<vmem>> -> memref<64x128xf32, #tpu.memory_space<vmem>>
    tpu.wait_dma2 semaphore(%arg25 : memref<!tpu.dma_semaphore, #tpu.memory_space<semaphore_mem>>) src(%dma_wait3A_531 : memref<64x128xf32, #tpu.memory_space<vmem>>) dst(%dma_wait3A_527 : memref<64x128xf32, #tpu.memory_space<hbm>>)
    %add3A_532 = arith.constant 6336 : i32
    %add3A_533 = arith.addi %mul3A_4, %add3A_532 : i32
    %dma_wait3A_534 = arith.constant 9 : i32
    %dma_wait3A_535 = arith.constant 0 : i32
    %dma_wait3A_536 = arith.constant 0 : i32
    %dma_wait3A_537 = tpu.memref_slice %arg6[%dma_wait3A_534, %dma_wait3A_535, %dma_wait3A_536] : memref<10x64x128xf32, #tpu.memory_space<vmem>> -> memref<1x64x128xf32, #tpu.memory_space<vmem>>
    %dma_wait3A_538 = tpu.memref_squeeze %dma_wait3A_537 : memref<1x64x128xf32, #tpu.memory_space<vmem>> -> memref<64x128xf32, #tpu.memory_space<vmem>>
    %dma_wait3A_539 = arith.constant 0 : i32
    %dma_wait3A_540 = tpu.memref_slice %arg4[%add3A_533, %dma_wait3A_539] : memref<204800x128xf32, #tpu.memory_space<hbm>> -> memref<64x128xf32, #tpu.memory_space<hbm>>
    %dma_wait3A_541 = arith.constant 0 : i32
    %dma_wait3A_542 = tpu.memref_slice %arg4[%add3A_533, %dma_wait3A_541] : memref<204800x128xf32, #tpu.memory_space<hbm>> -> memref<64x128xf32, #tpu.memory_space<hbm>>
    %dma_wait3A_543 = arith.constant 0 : i32
    %dma_wait3A_544 = arith.constant 0 : i32
    %dma_wait3A_545 = tpu.memref_slice %arg6[%dma_wait3A_534, %dma_wait3A_543, %dma_wait3A_544] : memref<10x64x128xf32, #tpu.memory_space<vmem>> -> memref<1x64x128xf32, #tpu.memory_space<vmem>>
    %dma_wait3A_546 = tpu.memref_squeeze %dma_wait3A_545 : memref<1x64x128xf32, #tpu.memory_space<vmem>> -> memref<64x128xf32, #tpu.memory_space<vmem>>
    tpu.wait_dma2 semaphore(%arg26 : memref<!tpu.dma_semaphore, #tpu.memory_space<semaphore_mem>>) src(%dma_wait3A_546 : memref<64x128xf32, #tpu.memory_space<vmem>>) dst(%dma_wait3A_542 : memref<64x128xf32, #tpu.memory_space<hbm>>)
    return
  }
}

module attributes {stable_mosaic.version = 14 : i64} {
  func.func @_temporal_body(%arg0: i32, %arg1: memref<32x200xf32, #tpu.memory_space<vmem>>, %arg2: memref<1x1x128xf32, #tpu.memory_space<vmem>>, %arg3: memref<1x1x128xf32, #tpu.memory_space<vmem>>, %arg4: memref<32x200x128xf32, #tpu.memory_space<vmem>>) attributes {dimension_semantics = [#tpu.dimension_semantics<arbitrary>], iteration_bounds = array<i64: 32>, scalar_prefetch = 0 : i64, scratch_operands = 0 : i64, tpu.core_type = #tpu.core_type<tc>, window_params = [{transform_indices = @transform_0, window_bounds = array<i64: 32, 200>}, {pipeline_mode = #tpu.pipeline_mode<synchronous>, transform_indices = @transform_1, window_bounds = array<i64: 1, 1, 128>}, {pipeline_mode = #tpu.pipeline_mode<synchronous>, transform_indices = @transform_2, window_bounds = array<i64: 1, 1, 128>}, {transform_indices = @transform_3, window_bounds = array<i64: 32, 200, 128>}]} {
    %get3A = arith.constant 0 : index
    %get3A_0 = arith.constant 0 : index
    %get3A_1 = vector.load %arg1[%get3A, %get3A_0] : memref<32x200xf32, #tpu.memory_space<vmem>>, vector<32x200xf32>
    %broadcast_in_dim3A = vector.shape_cast %get3A_1 : vector<32x200xf32> to vector<32x200x1xf32>
    %get3A_2 = arith.constant 0 : index
    %get3A_3 = arith.constant 0 : index
    %get3A_4 = arith.constant 0 : index
    %get3A_5 = vector.load %arg2[%get3A_2, %get3A_3, %get3A_4] : memref<1x1x128xf32, #tpu.memory_space<vmem>>, vector<1x1x128xf32>
    %mul3A = vector.broadcast %broadcast_in_dim3A : vector<32x200x1xf32> to vector<32x200x128xf32>
    %mul3A_6 = vector.broadcast %get3A_5 : vector<1x1x128xf32> to vector<32x200x128xf32>
    %mul3A_7 = arith.mulf %mul3A, %mul3A_6 : vector<32x200x128xf32>
    %get3A_8 = arith.constant 0 : index
    %get3A_9 = arith.constant 0 : index
    %get3A_10 = arith.constant 0 : index
    %get3A_11 = vector.load %arg3[%get3A_8, %get3A_9, %get3A_10] : memref<1x1x128xf32, #tpu.memory_space<vmem>>, vector<1x1x128xf32>
    %add3A = vector.broadcast %get3A_11 : vector<1x1x128xf32> to vector<32x200x128xf32>
    %add3A_12 = arith.addf %mul3A_7, %add3A : vector<32x200x128xf32>
    %mul3A_13 = arith.mulf %add3A_12, %add3A_12 : vector<32x200x128xf32>
    %mul3A_14 = arith.constant 2.35160701E-6 : f32
    %mul3A_15 = vector.broadcast %mul3A_14 : f32 to vector<32x200x128xf32>
    %mul3A_16 = arith.mulf %mul3A_15, %mul3A_13 : vector<32x200x128xf32>
    %add3A_17 = arith.constant -1.95941335E-4 : f32
    %add3A_18 = vector.broadcast %add3A_17 : f32 to vector<32x200x128xf32>
    %add3A_19 = arith.addf %mul3A_16, %add3A_18 : vector<32x200x128xf32>
    %mul3A_20 = arith.mulf %add3A_19, %mul3A_13 : vector<32x200x128xf32>
    %add3A_21 = arith.constant 0.00832668412 : f32
    %add3A_22 = vector.broadcast %add3A_21 : f32 to vector<32x200x128xf32>
    %add3A_23 = arith.addf %mul3A_20, %add3A_22 : vector<32x200x128xf32>
    %mul3A_24 = arith.mulf %add3A_23, %mul3A_13 : vector<32x200x128xf32>
    %add3A_25 = arith.constant -0.166659385 : f32
    %add3A_26 = vector.broadcast %add3A_25 : f32 to vector<32x200x128xf32>
    %add3A_27 = arith.addf %mul3A_24, %add3A_26 : vector<32x200x128xf32>
    %mul3A_28 = arith.mulf %add3A_27, %mul3A_13 : vector<32x200x128xf32>
    %add3A_29 = arith.constant 0.999997794 : f32
    %add3A_30 = vector.broadcast %add3A_29 : f32 to vector<32x200x128xf32>
    %add3A_31 = arith.addf %mul3A_28, %add3A_30 : vector<32x200x128xf32>
    %mul3A_32 = arith.mulf %add3A_31, %add3A_12 : vector<32x200x128xf32>
    %swap3A = arith.constant 0 : index
    %swap3A_33 = arith.constant 0 : index
    %swap3A_34 = arith.constant 0 : index
    %swap3A_35 = vector.load %arg4[%swap3A, %swap3A_33, %swap3A_34] : memref<32x200x128xf32, #tpu.memory_space<vmem>>, vector<32x200x128xf32>
    tpu.vector_store %arg4[%swap3A, %swap3A_33, %swap3A_34], %mul3A_32 {strides = array<i32>} : memref<32x200x128xf32, #tpu.memory_space<vmem>>, vector<32x200x128xf32>,
    return
  }
  func.func @transform_0(%arg0: i32) -> (i32, i32) {
    %c0_i32 = arith.constant 0 : i32
    %c0_i32_0 = arith.constant 0 : i32
    return %arg0, %c0_i32 : i32, i32
  }
  func.func @transform_1(%arg0: i32) -> (i32, i32, i32) {
    %c0_i32 = arith.constant 0 : i32
    %c0_i32_0 = arith.constant 0 : i32
    %c0_i32_1 = arith.constant 0 : i32
    %c0_i32_2 = arith.constant 0 : i32
    return %c0_i32, %c0_i32_0, %c0_i32_1 : i32, i32, i32
  }
  func.func @transform_2(%arg0: i32) -> (i32, i32, i32) {
    %c0_i32 = arith.constant 0 : i32
    %c0_i32_0 = arith.constant 0 : i32
    %c0_i32_1 = arith.constant 0 : i32
    %c0_i32_2 = arith.constant 0 : i32
    return %c0_i32, %c0_i32_0, %c0_i32_1 : i32, i32, i32
  }
  func.func @transform_3(%arg0: i32) -> (i32, i32, i32) {
    %c0_i32 = arith.constant 0 : i32
    %c0_i32_0 = arith.constant 0 : i32
    %c0_i32_1 = arith.constant 0 : i32
    return %arg0, %c0_i32, %c0_i32_0 : i32, i32, i32
  }
}

</mosaic_0001>

<sc_bundles>
// kernel: kernel.4.cloned.1.call-start
scs
__scs_entry_jumppad:
0x0: {  	(pc) =	sbr.rel $0x88, $3  }
0x1: {  	(tag) =	ssettag $0x0;
	lr =	simm.s32 $0x1  }
0x2: {  	[smem:$0x3F9E] =	sst lr;
	_ =	strace $0xD0000000  }
0x3: {  	_ = 	snop  }
0x4: {  	_ = 	snop  }
0x5: {  	_ = 	snop  }
0x6: {  	_ = 	snop  }
0x7: {  	_ = 	snop  }
__scs_overlays_trampoline_lowered:
0x8: {  	[smem:$0x3FAD] =	sst s0  }
0x9: {  	[smem:$0x3FAE] =	sst s1  }
0xa: {  	[smem:$0x3FAF] =	sst s2  }
0xb: {  	[smem:$0x3FB0] =	sst s3  }
0xc: {  	[smem:$0x3FB1] =	sst s4  }
0xd: {  	[smem:$0x3FB2] =	sst s5  }
0xe: {  	[smem:$0x3FB3] =	sst s6  }
0xf: {  	[smem:$0x3FB4] =	sst s7  }
0x10: {  	[smem:$0x3FB5] =	sst s8  }
0x11: {  	[smem:$0x3FB6] =	sst s9;
	s0 =	simm.s32 @!p0 $0x0  }
0x12: {  	s1 =	sld [smem:$0x3F9C];
	s0 =	simm.s32 @p0 $0x1  }
0x13: {  	[smem:$0x3FB7] =	sst s0;
	s0 =	simm.s32 @!p1 $0x0  }
0x14: {  	s2 =	sld [smem:$0x3F9B];
	s0 =	simm.s32 @p1 $0x1  }
0x15: {  	[smem:$0x3FB8] =	sst s0;
	s0 =	simm.s32 @!p2 $0x0  }
0x16: {  	s3 =	sld [smem:$0x3FDB];
	s0 =	simm.s32 @p2 $0x1  }
0x17: {  	s4 =	simm.s32 $0x1BF5;
	[smem:$0x3FBA] =	sst s0  }
0x18: {  	s0 =	sld [smem:$0x3F9D];
	_ =	swait.ge [sflag:s4], $0x0  }
0x19: {  	s7 =	sld [smem:$0x3F9E]  }
0x1a: {  	s8 =	sadd.s32 $0xFFFFE003, lr  }
0x1b: {  	s9 =	sadd.s32 $0xFFFFFEF7, lr;
	s5 =	simm.s32 $0xFFFFFFFF;
	p2 =	slt.u32 s8, $0xFFFFF086  }
0x1c: {  	p1 =	slt.u32 s9, $0xF7A;
	s5 =	simm.s32 @!p2 $0x0  }
0x1d: {  	s5 =	simm.s32 @p1 $0x1;
	p0 =	seq.s32 s7, s2  }
0x1e: {  	s7 =	smul.u32 @!p0 $0xF7A, s2;
	p2 =	seq.s32 @!p0 s5, $0x0  }
0x1f: {  	s9 =	smul.u32 $0xF7A, s1;
	s8 =	simm.s32 @!p0 $0x1BF5;
	p2 =	por !p2, p0  }
0x20: {  	[sflag:s8] =	ssyncset.s32 @!p0 $0xFFFFF086;
	s6 =	sadd.s32 @!p0 s3, s7;
	s7 =	simm.s32 @!p0 $0x108  }
0x21: {  	s3 =	sadd.s32 s3, s9;
	s6 =	sadd.s32 @!p0 $0x88, s6;
	s7 =	simm.s32 @p2 $0x1082  }
0x22: {  	[simem:s7], [sflag:s8] =	dma.local @!p0 [hbm:s6], $0xF7A  }
0x23: {  	s9 =	sor.u32 $0xD0000000, s2;
	s6 =	simm.s32 $0x108;
	_ =	swait.ge @!p0 [sflag:s8], $0x0  }
0x24: {  	s3 =	sadd.s32 $0x88, s3;
	s6 =	simm.s32 @!p1 $0x1082;
	[sflag:s4] =	ssyncset.s32 $0xFFFFF086  }
0x25: {  	[simem:s6], [sflag:s4] =	dma.local [hbm:s3], $0xF7A  }
0x26: {  	[smem:$0x3F9E] =	sst s1;
	(tag) =	ssettag s2;
	_ =	strace s9  }
0x27: {  	s1 =	sld [smem:$0x3FAE]  }
0x28: {  	s2 =	sld [smem:$0x3FAF]  }
0x29: {  	s4 =	sld [smem:$0x3FB1]  }
0x2a: {  	p0 =	seq.s32 s5, $0x0;
	s5 =	sld [smem:$0x3FB2]  }
0x2b: {  	s6 =	sld [smem:$0x3FB3]  }
0x2c: {  	s7 =	sld [smem:$0x3FB4]  }
0x2d: {  	s3 =	simm.s32 $0x108;
	s8 =	sld [smem:$0x3FB5]  }
0x2e: {  	s3 =	simm.s32 @!p0 $0x1082;
	s9 =	sld [smem:$0x3FB6]  }
0x2f: {  	lr =	sadd.s32 s0, s3;
	s0 =	sld [smem:$0x3FAD]  }
0x30: {  	s3 =	sld [smem:$0x3FB0]  }
0x31: {  	[smem:$0x3FB9] =	sst s10  }
0x32: {  	s10 =	sld [smem:$0x3FB7];
	_ =	sdelay $0x3  }
0x33: {  	p0 =	seq.s32 s10, $0x1;
	s10 =	sld [smem:$0x3FB9];
	_ =	sdelay $0x3  }
0x34: {  	[smem:$0x3FB9] =	sst s10  }
0x35: {  	s10 =	sld [smem:$0x3FB8];
	_ =	sdelay $0x3  }
0x36: {  	p1 =	seq.s32 s10, $0x1;
	s10 =	sld [smem:$0x3FB9];
	_ =	sdelay $0x3  }
0x37: {  	[smem:$0x3FB9] =	sst s10  }
0x38: {  	s10 =	sld [smem:$0x3FBA]  }
0x39: {  	_ = 	snop;
	(pc) =	sbr.ind lr, $3  }
0x3a: {  	_ = 	snop  }
0x3b: {  	_ = 	snop  }
0x3c: {  	p2 =	seq.s32 s10, $0x1;
	s10 =	sld [smem:$0x3FB9]  }
0x3d: {  	_ =	shalt  }
0x3e: {  	_ =	shalt  }
0x3f: {  	_ =	shalt  }
0x40: {  	_ =	shalt  }
0x41: {  	_ =	shalt  }
0x42: {  	_ =	shalt  }
0x43: {  	_ =	shalt  }
0x44: {  	_ =	shalt  }
0x45: {  	_ =	shalt  }
0x46: {  	_ =	shalt  }
0x47: {  	_ =	shalt  }
0x48: {  	_ =	shalt  }
0x49: {  	_ =	shalt  }
0x4a: {  	_ =	shalt  }
0x4b: {  	_ =	shalt  }
0x4c: {  	_ =	shalt  }
0x4d: {  	_ =	shalt  }
0x4e: {  	_ =	shalt  }
0x4f: {  	_ =	shalt  }
0x50: {  	_ =	shalt  }
0x51: {  	_ =	shalt  }
0x52: {  	_ =	shalt  }
0x53: {  	_ =	shalt  }
0x54: {  	_ =	shalt  }
0x55: {  	_ =	shalt  }
0x56: {  	_ =	shalt  }
0x57: {  	_ =	shalt  }
0x58: {  	_ =	shalt  }
0x59: {  	_ =	shalt  }
0x5a: {  	_ =	shalt  }
0x5b: {  	_ =	shalt  }
0x5c: {  	_ =	shalt  }
0x5d: {  	_ =	shalt  }
0x5e: {  	_ =	shalt  }
0x5f: {  	_ =	shalt  }
0x60: {  	_ =	shalt  }
0x61: {  	_ =	shalt  }
0x62: {  	_ =	shalt  }
0x63: {  	_ =	shalt  }
0x64: {  	_ =	shalt  }
0x65: {  	_ =	shalt  }
0x66: {  	_ =	shalt  }
0x67: {  	_ =	shalt  }
0x68: {  	_ =	shalt  }
0x69: {  	_ =	shalt  }
0x6a: {  	_ =	shalt  }
0x6b: {  	_ =	shalt  }
0x6c: {  	_ =	shalt  }
0x6d: {  	_ =	shalt  }
0x6e: {  	_ =	shalt  }
0x6f: {  	_ =	shalt  }
0x70: {  	_ =	shalt  }
0x71: {  	_ =	shalt  }
0x72: {  	_ =	shalt  }
0x73: {  	_ =	shalt  }
0x74: {  	_ =	shalt  }
0x75: {  	_ =	shalt  }
0x76: {  	_ =	shalt  }
0x77: {  	_ =	shalt  }
0x78: {  	_ =	shalt  }
0x79: {  	_ =	shalt  }
0x7a: {  	_ =	shalt  }
0x7b: {  	_ =	shalt  }
0x7c: {  	_ =	shalt  }
0x7d: {  	_ =	shalt  }
0x7e: {  	_ =	shalt  }
0x7f: {  	_ =	shalt  }
0x80: {  	_ =	shalt  }
0x81: {  	_ =	shalt  }
0x82: {  	_ =	shalt  }
0x83: {  	_ =	shalt  }
0x84: {  	_ =	shalt  }
0x85: {  	_ =	shalt  }
0x86: {  	_ =	shalt  }
0x87: {  	_ =	shalt  }
.Lfunc_end0:
.L_simem_size_0:
called_computation_lowered:
.L_overlay_start_0:
0x88: {  	s2 =	sld [smem:$0x3FD9]  }
0x89: {  	s3 =	sld [smem:$0x3FFE];
	_ =	sdelay $0x1  }
0x8a: {  	s1 =	srdreg.scid  }
0x8b: {  	s0 =	sand.u32 $0x1, s1  }
0x8c: {  	s14 =	sshll.u32 s0, $0xA;
	s2 =	sadd.s32 s3, s2  }
0x8d: {  	s2 =	sadd.s32 s2, s14  }
0x8e: {  	[smem:$0x3FC5] =	sst s2  }
0x8f: {  	_ = 	snop  }
0x90: {  	s2 =	sld [smem:$0x3FD0];
	_ =	sdelay $0x2  }
0x91: {  	s4 =	simm.s32 $0xA;
	s5 =	simm.s32 $0x10;
	s15 =	sld [smem:$0x3FC7]  }
0x92: {  	[smem:s5], [sflag:s4] =	dma.local [hbm:s2], $0x1  }
0x93: {  	_ =	swait.eq [sflag:s4], $0x1  }
0x94: {  	[sflag:s4] =	ssyncset.done $0x0  }
0x95: {  	[sflag:s4] =	ssyncadd.s32 $0xFFFFFFFF  }
0x96: {  	s16 =	sld [smem:$0x10];
	(tm) =	ssettm $0x1  }
0x97: {  	s17 =	sld [smem:$0x3FFB];
	_ =	sdelay $0x3  }
0x98: {  	_ =	strace s17  }
0x99: {  	s4 =	sld [smem:$0x3FFC];
	_ =	sdelay $0x3  }
0x9a: {  	_ =	strace s4  }
0x9b: {  	s4 =	sld [smem:$0x3FFD];
	_ =	sdelay $0x3  }
0x9c: {  	_ =	strace s4  }
0x9d: {  	_ =	strace $0x8FFFFFFF  }
0x9e: {  	s18 =	sld [smem:$0x3FDB];
	_ =	sdelay $0x1  }
0x9f: {  	s19 =	simm.s32 $_scs_section_size  }
0xa0: {  	s6 =	simm.s32 $_size__tile_overlayer_lowered;
	s7 =	simm.s32 $_tile_overlayer_lowered  }
0xa1: {  	s22 =	simm.s32 $0x1BFF;
	s21 =	sshll.u32 s7, $0x1;
	s4 =	sadd.s32 s19, s18  }
0xa2: {  	s8 =	simm.s32 $0x0;
	s20 =	sshll.u32 s6, $0x1;
	s6 =	sadd.s32 s21, s4  }
0xa3: {  	[timem:s8], [sflag:s22] =	dma.local [hbm:s6], s20  }
0xa4: {  	_ =	swait.ge [sflag:s22], s20  }
0xa5: {  	s5 =	ssub.s32 $0x0, s20;
	[sflag:s22] =	ssyncset.done $0x0  }
0xa6: {  	[sflag:s22] =	ssyncadd.s32 s5;
	_ =	sdelay $0x1  }
0xa7: {  	s23 =	simm.s32 $0x1B8B  }
0xa8: {  	_ =	swait.ge [sflag:s23], $0x1  }
0xa9: {  	[sflag:s23] =	ssyncset.done $0x0  }
0xaa: {  	s25 =	simm.s32 $0x1B8E;
	s24 =	sld [smem:$0x3FFE];
	[sflag:s23] =	ssyncadd.s32 $0xFFFFFFFF  }
0xab: {  	s26 =	simm.s32 $execute0_lowered;
	[smem:$0x3FD2] =	sst s25  }
0xac: {  	s6 =	sshll.u32 s26, $0x1;
	_ =	strace $0x80000046;
	[dreg:$0x1] =	wrdreg $0xFFFFFFFF  }
0xad: {  	s28 =	simm.s32 $_size_execute0_lowered;
	s4 =	sadd.s32 s4, s6;
	[dreg:$0x0] =	wrdreg $0x0  }
0xae: {  	s6 =	sshll.u32 s28, $0x1;
	[dreg:$0x2] =	wrdreg s4  }
0xaf: {  	[dreg:$0x3] =	wrdreg s6  }
0xb0: {  	[dreg:$0x4] =	wrdreg $0xC0  }
0xb1: {  	_ =	task [dreg:s8], $0x5FFFF  }
0xb2: {  	[dreg:$0x1] =	wrdreg $0xFFFFFFFF  }
0xb3: {  	[dreg:$0x0] =	wrdreg $0x60  }
0xb4: {  	[dreg:$0x2] =	wrdreg s15  }
0xb5: {  	[dreg:$0x3] =	wrdreg s24  }
0xb6: {  	[dreg:$0x4] =	wrdreg s16  }
0xb7: {  	[dreg:$0x5] =	wrdreg $0x9  }
0xb8: {  	_ =	task.clear_ibuf [dreg:s8], $0x6FFFF;
	_ =	strace $0x90000046  }
0xb9: {  	s29 =	simm.s32 $0x9;
	_ =	strace $0x80000048  }
0xba: {  	_ =	swait.ge [sflag:s29], $0x1  }
0xbb: {  	[sflag:s29] =	ssyncadd.s32 $0xFFFFFFFF  }
0xbc: {  	_ =	strace $0x90000048  }
0xbd: {  	_ =	sfence  }
0xbe: {  	s30 =	sld [smem:$0x0];
	_ =	sdelay $0x2  }
0xbf: {  	s31 =	sshll.u32 s1, $0xD;
	s1 =	sshrl.u32 s1, $0x2  }
0xc0: {  	s3 =	sand.u32 $0x4000, s31;
	s1 =	sadd.s32 s1, s30  }
0xc1: {  	s0 =	sor.u32 s3, s0;
	s1 =	sshll.u32 s1, $0x11  }
0xc2: {  	s0 =	sor.u32 s1, s0  }
0xc3: {  	s0 =	sadd.s32 $0x8F2B, s0  }
0xc4: {  	[sflag:s0] =	ssyncadd.remote.s32 $0x1  }
0xc5: {  	_ =	sfence.sel $0xFFFF  }
0xc6: {  	[dreg:$0x0] =	wrdreg $0xFFFFFFFF;
	(pc) =	sbr.abs _section_cstart, $3  }
0xc7: {  	[dreg:$0x1] =	wrdreg $0xFFFFFFFF  }
0xc8: {  	_ =	task.clear_ibuf [dreg:s8], $0x2FFFF;
	_ =	strace $0x9FFFFFFF  }
0xc9: {  	(tm) =	ssettm $0x7FFFFFFF  }
tec
execute0_lowered:
.L_overlay_start_1:
0x0: {  	(tag) =	ssettag $0x1  }
0x1: {  	s1 =	rddreg [dreg:$0x0]  }
0x2: {  	s0 =	srdreg.scid;
	s2 =	rddreg [dreg:$0x1]  }
0x3: {  	s8 =	stileid.u32;
	s4 =	rddreg [dreg:$0x2]  }
0x4: {  	s9 =	simm.s32 $0xA;
	s0 =	sand.u32 $0x1, s0;
	s3 =	sshll.u32 s8, $0x1  }
0x5: {  	s10 =	simm.s32 $0xB;
	s11 =	simm.s32 $0xC;
	s5 =	sor.u32 s0, s3  }
0x6: {  	s12 =	simm.s32 $0xD;
	s13 =	simm.s32 $0xE;
	s6 =	smul.u32 $0xC8000, s5  }
0x7: {  	s14 =	simm.s32 $0xF;
	s3 =	simm.s32 $0x0;
	s5 =	smul.u32 $0x680, s5  }
0x8: {  	s15 =	simm.s32 $0x10;
	s7 =	ssub.s32 $0x2, s0;
	[smem:$0x7FF] =	sst s3  }
0x9: {  	s18 =	sshrl.u32 s7, $0x1;
	_ =	strace $0x80000047;
	s2 =	sadd.s32 s5, s2  }
0xa: {  	s6 =	sshrl.u32 s6, $0x3;
	s5 =	ssub.s32 s7, s18;
	s2 =	sadd.s32 $0xA00, s2  }
0xb: {  	s6 =	sadd.s32 s4, s6;
	s31 =	smax.u32 s5, $0x1;
	[dreg:$0x4] =	wrdreg s2  }
0xc: {  	s17 =	simm.s32 $0x11;
	s19 =	sadd.s32 $0x16800, s6;
	[dreg:$0xf] =	wrdreg s31  }
0xd: {  	s16 =	simm.s32 $0x12;
	s20 =	sadd.s32 $0x16C00, s6;
	[dreg:$0x5] =	wrdreg s19  }
0xe: {  	s22 =	smul.u32 $0x32000, s8;
	s21 =	sadd.s32 $0x17000, s6;
	[dreg:$0x6] =	wrdreg s20  }
0xf: {  	s8 =	simm.s32 $0x9;
	s23 =	sadd.s32 $0x17400, s6;
	[dreg:$0x7] =	wrdreg s21  }
0x10: {  	s0 =	smul.u32 $0x19000, s0;
	s24 =	sadd.s32 $0x17800, s6;
	[dreg:$0x8] =	wrdreg s23  }
0x11: {  	s18 =	simm.s32 $0x40;
	s25 =	sadd.s32 $0x17C00, s6;
	[dreg:$0x9] =	wrdreg s24  }
0x12: {  	s7 =	simm.s32 $0x8;
	s26 =	sadd.s32 $0x18000, s6;
	[dreg:$0xa] =	wrdreg s25  }
0x13: {  	s2 =	sadd.s32 s22, s4;
	s28 =	sadd.s32 $0x18400, s6;
	[dreg:$0xb] =	wrdreg s26  }
0x14: {  	s29 =	sadd.s32 $0x18800, s6;
	s30 =	sadd.s32 $0x18C00, s6;
	[dreg:$0xc] =	wrdreg s28  }
0x15: {  	s6 =	simm.s32 $0x7;
	[dreg:$0xd] =	wrdreg s29;
	s0 =	sadd.s32 s0, s2  }
0x16: {  	[dreg:$0xe] =	wrdreg s30;
	s19 =	simm.s32 $0x13;
	s0 =	sadd.s32 $0x2400, s0  }
0x17: {  	s21 =	simm.s32 $0x14;
	[dreg:$0x10] =	wrdreg s0;
	s0 =	simm.s32 $0x0  }
.LBB2_1:
0x18: {  	[dreg:$0x11] =	wrdreg s0  }
0x19: {  	s23 =	rddreg [dreg:$0x4];
	s26 =	simm.s32 $0x15  }
0x1a: {  	[tilespmem:s3], [sflag:$0x15] =	stream.linear.gather [hbm4b:s23+s3], $0x3200, $0x38;
	[tilespmem:$0x17400] =	vst v63  }
0x1b: {  	_ =	swait.ge [sflag:s26], $0x3200  }
0x1c: {  	[sflag:s26] =	ssyncset.done $0x0  }
0x1d: {  	s2 =	simm.s32 $0x3400;
	[sflag:s26] =	ssyncadd.s32 $0xFFFFCE00  }
0x1e: {  	[tilespmem:s2], [sflag:$0x1] =	stream.indirect.gather [hbm4b:s1+s18], $0x80, s3, s18, $0xb8;
	[tilespmem:$0x17400] =	vst v63  }
0x1f: {  	s20 =	simm.s32 $0x80;
	s24 =	simm.s32 $0x5400  }
0x20: {  	[tilespmem:s24], [sflag:$0x2] =	stream.indirect.gather [hbm4b:s1+s18], $0x80, s20, s18, $0xb8;
	[tilespmem:$0x17400] =	vst v63  }
0x21: {  	s29 =	simm.s32 $0x100;
	s28 =	simm.s32 $0x7400  }
0x22: {  	[tilespmem:s28], [sflag:$0x3] =	stream.indirect.gather [hbm4b:s1+s18], $0x80, s29, s18, $0xb8;
	[tilespmem:$0x17400] =	vst v63  }
0x23: {  	s30 =	simm.s32 $0x180;
	s29 =	simm.s32 $0x9400  }
0x24: {  	[tilespmem:s29], [sflag:$0x4] =	stream.indirect.gather [hbm4b:s1+s18], $0x80, s30, s18, $0xb8;
	[tilespmem:$0x17400] =	vst v63  }
0x25: {  	s31 =	simm.s32 $0x200;
	s0 =	simm.s32 $0xB400  }
0x26: {  	[tilespmem:s0], [sflag:$0x5] =	stream.indirect.gather [hbm4b:s1+s18], $0x80, s31, s18, $0xb8;
	[tilespmem:$0x17400] =	vst v63  }
0x27: {  	s4 =	simm.s32 $0x280;
	s22 =	simm.s32 $0xD400  }
0x28: {  	[tilespmem:s22], [sflag:$0x6] =	stream.indirect.gather [hbm4b:s1+s18], $0x80, s4, s18, $0xb8;
	[tilespmem:$0x17400] =	vst v63  }
0x29: {  	s5 =	simm.s32 $0x300;
	s26 =	simm.s32 $0xF400  }
0x2a: {  	[tilespmem:s26], [sflag:$0x7] =	stream.indirect.gather [hbm4b:s1+s18], $0x80, s5, s18, $0xb8;
	[tilespmem:$0x17400] =	vst v63  }
0x2b: {  	s23 =	simm.s32 $0x380;
	s30 =	simm.s32 $0x11400  }
0x2c: {  	[tilespmem:s30], [sflag:$0x8] =	stream.indirect.gather [hbm4b:s1+s18], $0x80, s23, s18, $0xb8;
	[tilespmem:$0x17400] =	vst v63  }
0x2d: {  	s20 =	simm.s32 $0x13400;
	s4 =	simm.s32 $0x400  }
0x2e: {  	[tilespmem:s20], [sflag:$0x9] =	stream.indirect.gather [hbm4b:s1+s18], $0x80, s4, s18, $0xb8;
	[tilespmem:$0x17400] =	vst v63  }
0x2f: {  	s25 =	simm.s32 $0x480;
	s31 =	simm.s32 $0x1;
	s5 =	simm.s32 $0x15400  }
0x30: {  	[tilespmem:s5], [sflag:$0xA] =	stream.indirect.gather [hbm4b:s1+s18], $0x80, s25, s18, $0xb8;
	[tilespmem:$0x17400] =	vst v63  }
0x31: {  	_ =	swait.ge [sflag:s31], $0x2000  }
0x32: {  	[sflag:s31] =	ssyncset.done $0x0;
	s25 =	rddreg [dreg:$0x10]  }
0x33: {  	[sflag:s31] =	ssyncadd.s32 $0xFFFFE000;
	s4 =	sadd.s32 $0xFFFFDC00, s25;
	s31 =	simm.s32 $0x2  }
0x34: {  	[hbm4b:s4+s3] =	stream.linear.scatter [tilespmem:s2], [sflag:$0xB], $0x2000, $0x38;
	[tilespmem:$0x17400] =	vst v63  }
0x35: {  	_ =	swait.ge [sflag:s31], $0x2000  }
0x36: {  	[sflag:s31] =	ssyncset.done $0x0  }
0x37: {  	s4 =	sadd.s32 $0xFFFFE000, s25;
	[sflag:s31] =	ssyncadd.s32 $0xFFFFE000;
	s31 =	simm.s32 $0x3  }
0x38: {  	[hbm4b:s4+s3] =	stream.linear.scatter [tilespmem:s24], [sflag:$0xC], $0x2000, $0x38;
	[tilespmem:$0x17400] =	vst v63  }
0x39: {  	_ =	swait.ge [sflag:s31], $0x2000  }
0x3a: {  	[sflag:s31] =	ssyncset.done $0x0  }
0x3b: {  	s4 =	sadd.s32 $0xFFFFE400, s25;
	[sflag:s31] =	ssyncadd.s32 $0xFFFFE000;
	s31 =	simm.s32 $0x4  }
0x3c: {  	[hbm4b:s4+s3] =	stream.linear.scatter [tilespmem:s28], [sflag:$0xD], $0x2000, $0x38;
	[tilespmem:$0x17400] =	vst v63  }
0x3d: {  	_ =	swait.ge [sflag:s31], $0x2000  }
0x3e: {  	[sflag:s31] =	ssyncset.done $0x0  }
0x3f: {  	s4 =	sadd.s32 $0xFFFFE800, s25;
	[sflag:s31] =	ssyncadd.s32 $0xFFFFE000;
	s31 =	simm.s32 $0x5  }
0x40: {  	[hbm4b:s4+s3] =	stream.linear.scatter [tilespmem:s29], [sflag:$0xE], $0x2000, $0x38;
	[tilespmem:$0x17400] =	vst v63  }
0x41: {  	_ =	swait.ge [sflag:s31], $0x2000  }
0x42: {  	[sflag:s31] =	ssyncset.done $0x0  }
0x43: {  	s4 =	sadd.s32 $0xFFFFEC00, s25;
	[sflag:s31] =	ssyncadd.s32 $0xFFFFE000;
	s31 =	simm.s32 $0x6  }
0x44: {  	[hbm4b:s4+s3] =	stream.linear.scatter [tilespmem:s0], [sflag:$0xF], $0x2000, $0x38;
	[tilespmem:$0x17400] =	vst v63  }
0x45: {  	_ =	swait.ge [sflag:s31], $0x2000  }
0x46: {  	[sflag:s31] =	ssyncset.done $0x0  }
0x47: {  	s4 =	sadd.s32 $0xFFFFF000, s25;
	[sflag:s31] =	ssyncadd.s32 $0xFFFFE000  }
0x48: {  	[hbm4b:s4+s3] =	stream.linear.scatter [tilespmem:s22], [sflag:$0x10], $0x2000, $0x38;
	[tilespmem:$0x17400] =	vst v63  }
0x49: {  	_ =	swait.ge [sflag:s6], $0x2000  }
0x4a: {  	[sflag:s6] =	ssyncset.done $0x0  }
0x4b: {  	s31 =	sadd.s32 $0xFFFFF400, s25;
	[sflag:s6] =	ssyncadd.s32 $0xFFFFE000  }
0x4c: {  	[hbm4b:s31+s3] =	stream.linear.scatter [tilespmem:s26], [sflag:$0x11], $0x2000, $0x38;
	[tilespmem:$0x17400] =	vst v63  }
0x4d: {  	_ =	swait.ge [sflag:s7], $0x2000  }
0x4e: {  	[sflag:s7] =	ssyncset.done $0x0  }
0x4f: {  	s4 =	sadd.s32 $0xFFFFF800, s25;
	[sflag:s7] =	ssyncadd.s32 $0xFFFFE000  }
0x50: {  	[hbm4b:s4+s3] =	stream.linear.scatter [tilespmem:s30], [sflag:$0x12], $0x2000, $0x38;
	[tilespmem:$0x17400] =	vst v63  }
0x51: {  	_ =	swait.ge [sflag:s8], $0x2000  }
0x52: {  	[sflag:s8] =	ssyncset.done $0x0  }
0x53: {  	s31 =	sadd.s32 $0xFFFFFC00, s25;
	[sflag:s8] =	ssyncadd.s32 $0xFFFFE000  }
0x54: {  	[hbm4b:s31+s3] =	stream.linear.scatter [tilespmem:s20], [sflag:$0x13], $0x2000, $0x38;
	[tilespmem:$0x17400] =	vst v63  }
0x55: {  	_ =	swait.ge [sflag:s9], $0x2000  }
0x56: {  	[sflag:s9] =	ssyncset.done $0x0  }
0x57: {  	[sflag:s9] =	ssyncadd.s32 $0xFFFFE000  }
0x58: {  	[hbm4b:s25+s3] =	stream.linear.scatter [tilespmem:s5], [sflag:$0x14], $0x2000, $0x38;
	[tilespmem:$0x17400] =	vst v63  }
0x59: {  	_ =	swait.ge [sflag:s10], $0x2000  }
0x5a: {  	[sflag:s10] =	ssyncset.done $0x0  }
0x5b: {  	s4 =	simm.s32 $0x500;
	[sflag:s10] =	ssyncadd.s32 $0xFFFFE000  }
0x5c: {  	[tilespmem:s2], [sflag:$0x1] =	stream.indirect.gather [hbm4b:s1+s18], $0x80, s4, s18, $0xb8;
	[tilespmem:$0x17400] =	vst v63  }
0x5d: {  	_ =	swait.ge [sflag:s11], $0x2000  }
0x5e: {  	[sflag:s11] =	ssyncset.done $0x0  }
0x5f: {  	s5 =	simm.s32 $0x580;
	[sflag:s11] =	ssyncadd.s32 $0xFFFFE000  }
0x60: {  	[tilespmem:s24], [sflag:$0x2] =	stream.indirect.gather [hbm4b:s1+s18], $0x80, s5, s18, $0xb8;
	[tilespmem:$0x17400] =	vst v63  }
0x61: {  	_ =	swait.ge [sflag:s12], $0x2000  }
0x62: {  	[sflag:s12] =	ssyncset.done $0x0  }
0x63: {  	s31 =	simm.s32 $0x600;
	[sflag:s12] =	ssyncadd.s32 $0xFFFFE000  }
0x64: {  	[tilespmem:s28], [sflag:$0x3] =	stream.indirect.gather [hbm4b:s1+s18], $0x80, s31, s18, $0xb8;
	[tilespmem:$0x17400] =	vst v63  }
0x65: {  	_ =	swait.ge [sflag:s13], $0x2000  }
0x66: {  	[sflag:s13] =	ssyncset.done $0x0  }
0x67: {  	s2 =	simm.s32 $0x680;
	[sflag:s13] =	ssyncadd.s32 $0xFFFFE000  }
0x68: {  	[tilespmem:s29], [sflag:$0x4] =	stream.indirect.gather [hbm4b:s1+s18], $0x80, s2, s18, $0xb8;
	[tilespmem:$0x17400] =	vst v63  }
0x69: {  	_ =	swait.ge [sflag:s14], $0x2000  }
0x6a: {  	[sflag:s14] =	ssyncset.done $0x0  }
0x6b: {  	s4 =	simm.s32 $0x700;
	[sflag:s14] =	ssyncadd.s32 $0xFFFFE000  }
0x6c: {  	[tilespmem:s0], [sflag:$0x5] =	stream.indirect.gather [hbm4b:s1+s18], $0x80, s4, s18, $0xb8;
	[tilespmem:$0x17400] =	vst v63  }
0x6d: {  	_ =	swait.ge [sflag:s15], $0x2000  }
0x6e: {  	[sflag:s15] =	ssyncset.done $0x0  }
0x6f: {  	s5 =	simm.s32 $0x780;
	[sflag:s15] =	ssyncadd.s32 $0xFFFFE000  }
0x70: {  	[tilespmem:s22], [sflag:$0x6] =	stream.indirect.gather [hbm4b:s1+s18], $0x80, s5, s18, $0xb8;
	[tilespmem:$0x17400] =	vst v63  }
0x71: {  	_ =	swait.ge [sflag:s17], $0x2000  }
0x72: {  	[sflag:s17] =	ssyncset.done $0x0  }
0x73: {  	s24 =	simm.s32 $0x800;
	[sflag:s17] =	ssyncadd.s32 $0xFFFFE000  }
0x74: {  	[tilespmem:s26], [sflag:$0x7] =	stream.indirect.gather [hbm4b:s1+s18], $0x80, s24, s18, $0xb8;
	[tilespmem:$0x17400] =	vst v63  }
0x75: {  	_ =	swait.ge [sflag:s16], $0x2000  }
0x76: {  	[sflag:s16] =	ssyncset.done $0x0  }
0x77: {  	s29 =	simm.s32 $0x880;
	[sflag:s16] =	ssyncadd.s32 $0xFFFFE000  }
0x78: {  	[tilespmem:s30], [sflag:$0x8] =	stream.indirect.gather [hbm4b:s1+s18], $0x80, s29, s18, $0xb8;
	[tilespmem:$0x17400] =	vst v63  }
0x79: {  	_ =	swait.ge [sflag:s19], $0x2000  }
0x7a: {  	[sflag:s19] =	ssyncset.done $0x0  }
0x7b: {  	s31 =	simm.s32 $0x900;
	[sflag:s19] =	ssyncadd.s32 $0xFFFFE000  }
0x7c: {  	[tilespmem:s20], [sflag:$0x9] =	stream.indirect.gather [hbm4b:s1+s18], $0x80, s31, s18, $0xb8;
	[tilespmem:$0x17400] =	vst v63  }
0x7d: {  	_ =	swait.ge [sflag:s21], $0x2000  }
0x7e: {  	s23 =	simm.s32 $0x1400;
	[sflag:s21] =	ssyncset.done $0x0  }
0x7f: {  	s25 =	sadd.s32 $0x2800, s25;
	s28 =	simm.s32 $0x980;
	[sflag:s21] =	ssyncadd.s32 $0xFFFFE000  }
.LBB2_2:
0x80: {  	s20 =	simm.s32 $0x15400  }
0x81: {  	[tilespmem:s20], [sflag:$0xA] =	stream.indirect.gather [hbm4b:s1+s18], $0x80, s28, s18, $0xb8;
	[tilespmem:$0x17400] =	vst v63  }
0x82: {  	s0 =	simm.s32 $0x1;
	s28 =	smov.u32 s23  }
0x83: {  	p0 =	sne.s32 s23, $0xA000;
	s23 =	sadd.s32 $0x1400, s23;
	_ =	swait.ge [sflag:s0], $0x2000  }
0x84: {  	s30 =	sadd.s32 $0xFFFFDC00, s25;
	[sflag:s0] =	ssyncset.done $0x0  }
0x85: {  	s2 =	simm.s32 $0x3400;
	[sflag:s0] =	ssyncadd.s32 $0xFFFFE000;
	s0 =	simm.s32 $0x2  }
0x86: {  	[hbm4b:s30+s3] =	stream.linear.scatter [tilespmem:s2], [sflag:$0xB], $0x2000, $0x38;
	[tilespmem:$0x17400] =	vst v63  }
0x87: {  	_ =	swait.ge [sflag:s0], $0x2000  }
0x88: {  	s24 =	simm.s32 $0x5400;
	[sflag:s0] =	ssyncset.done $0x0  }
0x89: {  	s30 =	sadd.s32 $0xFFFFE000, s25;
	[sflag:s0] =	ssyncadd.s32 $0xFFFFE000;
	s0 =	simm.s32 $0x3  }
0x8a: {  	[hbm4b:s30+s3] =	stream.linear.scatter [tilespmem:s24], [sflag:$0xC], $0x2000, $0x38;
	[tilespmem:$0x17400] =	vst v63  }
0x8b: {  	_ =	swait.ge [sflag:s0], $0x2000  }
0x8c: {  	s29 =	simm.s32 $0x7400;
	[sflag:s0] =	ssyncset.done $0x0  }
0x8d: {  	s30 =	sadd.s32 $0xFFFFE400, s25;
	[sflag:s0] =	ssyncadd.s32 $0xFFFFE000;
	s0 =	simm.s32 $0x4  }
0x8e: {  	[hbm4b:s30+s3] =	stream.linear.scatter [tilespmem:s29], [sflag:$0xD], $0x2000, $0x38;
	[tilespmem:$0x17400] =	vst v63  }
0x8f: {  	_ =	swait.ge [sflag:s0], $0x2000  }
0x90: {  	s31 =	simm.s32 $0x9400;
	[sflag:s0] =	ssyncset.done $0x0  }
0x91: {  	s30 =	sadd.s32 $0xFFFFE800, s25;
	[sflag:s0] =	ssyncadd.s32 $0xFFFFE000;
	s0 =	simm.s32 $0x5  }
0x92: {  	[hbm4b:s30+s3] =	stream.linear.scatter [tilespmem:s31], [sflag:$0xE], $0x2000, $0x38;
	[tilespmem:$0x17400] =	vst v63  }
0x93: {  	_ =	swait.ge [sflag:s0], $0x2000  }
0x94: {  	s4 =	simm.s32 $0x6;
	[sflag:s0] =	ssyncset.done $0x0  }
0x95: {  	s30 =	sadd.s32 $0xFFFFEC00, s25;
	[sflag:s0] =	ssyncadd.s32 $0xFFFFE000;
	s0 =	simm.s32 $0xB400  }
0x96: {  	[hbm4b:s30+s3] =	stream.linear.scatter [tilespmem:s0], [sflag:$0xF], $0x2000, $0x38;
	[tilespmem:$0x17400] =	vst v63  }
0x97: {  	_ =	swait.ge [sflag:s4], $0x2000  }
0x98: {  	[sflag:s4] =	ssyncset.done $0x0  }
0x99: {  	s22 =	simm.s32 $0xD400;
	s30 =	sadd.s32 $0xFFFFF000, s25;
	[sflag:s4] =	ssyncadd.s32 $0xFFFFE000  }
0x9a: {  	[hbm4b:s30+s3] =	stream.linear.scatter [tilespmem:s22], [sflag:$0x10], $0x2000, $0x38;
	[tilespmem:$0x17400] =	vst v63  }
0x9b: {  	_ =	swait.ge [sflag:s6], $0x2000  }
0x9c: {  	[sflag:s6] =	ssyncset.done $0x0  }
0x9d: {  	s26 =	simm.s32 $0xF400;
	s30 =	sadd.s32 $0xFFFFF400, s25;
	[sflag:s6] =	ssyncadd.s32 $0xFFFFE000  }
0x9e: {  	[hbm4b:s30+s3] =	stream.linear.scatter [tilespmem:s26], [sflag:$0x11], $0x2000, $0x38;
	[tilespmem:$0x17400] =	vst v63  }
0x9f: {  	_ =	swait.ge [sflag:s7], $0x2000  }
0xa0: {  	[sflag:s7] =	ssyncset.done $0x0  }
0xa1: {  	s4 =	simm.s32 $0x11400;
	s30 =	sadd.s32 $0xFFFFF800, s25;
	[sflag:s7] =	ssyncadd.s32 $0xFFFFE000  }
0xa2: {  	[hbm4b:s30+s3] =	stream.linear.scatter [tilespmem:s4], [sflag:$0x12], $0x2000, $0x38;
	[tilespmem:$0x17400] =	vst v63  }
0xa3: {  	_ =	swait.ge [sflag:s8], $0x2000  }
0xa4: {  	[sflag:s8] =	ssyncset.done $0x0  }
0xa5: {  	s5 =	simm.s32 $0x13400;
	s30 =	sadd.s32 $0xFFFFFC00, s25;
	[sflag:s8] =	ssyncadd.s32 $0xFFFFE000  }
0xa6: {  	[hbm4b:s30+s3] =	stream.linear.scatter [tilespmem:s5], [sflag:$0x13], $0x2000, $0x38;
	[tilespmem:$0x17400] =	vst v63  }
0xa7: {  	_ =	swait.ge [sflag:s9], $0x2000  }
0xa8: {  	[sflag:s9] =	ssyncset.done $0x0  }
0xa9: {  	[sflag:s9] =	ssyncadd.s32 $0xFFFFE000  }
0xaa: {  	[hbm4b:s25+s3] =	stream.linear.scatter [tilespmem:s20], [sflag:$0x14], $0x2000, $0x38;
	[tilespmem:$0x17400] =	vst v63  }
0xab: {  	_ =	swait.ge [sflag:s10], $0x2000  }
0xac: {  	s28 =	sshra.s32 s28, $0x2;
	[sflag:s10] =	ssyncset.done $0x0  }
0xad: {  	s30 =	sadd.s32 $0x500, s28;
	s20 =	simm.s32 $0x3400;
	[sflag:s10] =	ssyncadd.s32 $0xFFFFE000  }
0xae: {  	[tilespmem:s2], [sflag:$0x1] =	stream.indirect.gather [hbm4b:s1+s18], $0x80, s30, s18, $0xb8;
	[tilespmem:$0x17400] =	vst v63  }
0xaf: {  	_ =	swait.ge [sflag:s11], $0x2000  }
0xb0: {  	[sflag:s11] =	ssyncset.done $0x0  }
0xb1: {  	s30 =	sadd.s32 $0x580, s28;
	s2 =	simm.s32 $0x5400;
	[sflag:s11] =	ssyncadd.s32 $0xFFFFE000  }
0xb2: {  	[tilespmem:s24], [sflag:$0x2] =	stream.indirect.gather [hbm4b:s1+s18], $0x80, s30, s18, $0xb8;
	[tilespmem:$0x17400] =	vst v63  }
0xb3: {  	_ =	swait.ge [sflag:s12], $0x2000  }
0xb4: {  	[sflag:s12] =	ssyncset.done $0x0  }
0xb5: {  	s30 =	sadd.s32 $0x600, s28;
	s24 =	simm.s32 $0x7400;
	[sflag:s12] =	ssyncadd.s32 $0xFFFFE000  }
0xb6: {  	[tilespmem:s29], [sflag:$0x3] =	stream.indirect.gather [hbm4b:s1+s18], $0x80, s30, s18, $0xb8;
	[tilespmem:$0x17400] =	vst v63  }
0xb7: {  	_ =	swait.ge [sflag:s13], $0x2000  }
0xb8: {  	[sflag:s13] =	ssyncset.done $0x0  }
0xb9: {  	s30 =	sadd.s32 $0x680, s28;
	s29 =	simm.s32 $0x9400;
	[sflag:s13] =	ssyncadd.s32 $0xFFFFE000  }
0xba: {  	[tilespmem:s31], [sflag:$0x4] =	stream.indirect.gather [hbm4b:s1+s18], $0x80, s30, s18, $0xb8;
	[tilespmem:$0x17400] =	vst v63  }
0xbb: {  	_ =	swait.ge [sflag:s14], $0x2000  }
0xbc: {  	[sflag:s14] =	ssyncset.done $0x0  }
0xbd: {  	s30 =	sadd.s32 $0x700, s28;
	s31 =	simm.s32 $0xB400;
	[sflag:s14] =	ssyncadd.s32 $0xFFFFE000  }
0xbe: {  	[tilespmem:s0], [sflag:$0x5] =	stream.indirect.gather [hbm4b:s1+s18], $0x80, s30, s18, $0xb8;
	[tilespmem:$0x17400] =	vst v63  }
0xbf: {  	_ =	swait.ge [sflag:s15], $0x2000  }
0xc0: {  	[sflag:s15] =	ssyncset.done $0x0  }
0xc1: {  	s30 =	sadd.s32 $0x780, s28;
	s0 =	simm.s32 $0xD400;
	[sflag:s15] =	ssyncadd.s32 $0xFFFFE000  }
0xc2: {  	[tilespmem:s22], [sflag:$0x6] =	stream.indirect.gather [hbm4b:s1+s18], $0x80, s30, s18, $0xb8;
	[tilespmem:$0x17400] =	vst v63  }
0xc3: {  	_ =	swait.ge [sflag:s17], $0x2000  }
0xc4: {  	[sflag:s17] =	ssyncset.done $0x0  }
0xc5: {  	s30 =	sadd.s32 $0x800, s28;
	s22 =	simm.s32 $0xF400;
	[sflag:s17] =	ssyncadd.s32 $0xFFFFE000  }
0xc6: {  	[tilespmem:s26], [sflag:$0x7] =	stream.indirect.gather [hbm4b:s1+s18], $0x80, s30, s18, $0xb8;
	[tilespmem:$0x17400] =	vst v63  }
0xc7: {  	_ =	swait.ge [sflag:s16], $0x2000  }
0xc8: {  	[sflag:s16] =	ssyncset.done $0x0  }
0xc9: {  	s30 =	sadd.s32 $0x880, s28;
	s26 =	simm.s32 $0x11400;
	[sflag:s16] =	ssyncadd.s32 $0xFFFFE000  }
0xca: {  	[tilespmem:s4], [sflag:$0x8] =	stream.indirect.gather [hbm4b:s1+s18], $0x80, s30, s18, $0xb8;
	[tilespmem:$0x17400] =	vst v63  }
0xcb: {  	_ =	swait.ge [sflag:s19], $0x2000  }
0xcc: {  	s30 =	sadd.s32 $0x900, s28;
	[sflag:s19] =	ssyncset.done $0x0  }
.Ltmp0:
0xcd: {  	s4 =	simm.s32 $0x13400;
	[sflag:s19] =	ssyncadd.s32 $0xFFFFE000;
	(pc) =	sbr.rel @p0 .LBB2_2-.Ltmp0, $4  }
0xce: {  	[tilespmem:s5], [sflag:$0x9] =	stream.indirect.gather [hbm4b:s1+s18], $0x80, s30, s18, $0xb8;
	[tilespmem:$0x17400] =	vst v63  }
0xcf: {  	_ =	swait.ge [sflag:s21], $0x2000  }
0xd0: {  	[sflag:s21] =	ssyncset.done $0x0  }
0xd1: {  	s25 =	sadd.s32 $0x2800, s25;
	s28 =	sadd.s32 $0x980, s28;
	[sflag:s21] =	ssyncadd.s32 $0xFFFFE000  }
0xd2: {  	s5 =	simm.s32 $0x15400;
	s23 =	simm.s32 $0x1  }
0xd3: {  	[tilespmem:s5], [sflag:$0xA] =	stream.indirect.gather [hbm4b:s1+s18], $0x80, s28, s18, $0xb8;
	[tilespmem:$0x17400] =	vst v63  }
0xd4: {  	_ =	swait.ge [sflag:s23], $0x2000  }
0xd5: {  	[sflag:s23] =	ssyncset.done $0x0  }
0xd6: {  	s25 =	simm.s32 $0x2;
	s30 =	rddreg [dreg:$0x5];
	[sflag:s23] =	ssyncadd.s32 $0xFFFFE000  }
0xd7: {  	[hbm4b:s30+s3] =	stream.linear.scatter [tilespmem:s20], [sflag:$0xB], $0x2000, $0x38;
	[tilespmem:$0x17400] =	vst v63  }
0xd8: {  	_ =	swait.ge [sflag:s25], $0x2000  }
0xd9: {  	[sflag:s25] =	ssyncset.done $0x0  }
0xda: {  	s30 =	simm.s32 $0x3;
	s28 =	rddreg [dreg:$0x6];
	[sflag:s25] =	ssyncadd.s32 $0xFFFFE000  }
0xdb: {  	[hbm4b:s28+s3] =	stream.linear.scatter [tilespmem:s2], [sflag:$0xC], $0x2000, $0x38;
	[tilespmem:$0x17400] =	vst v63  }
0xdc: {  	_ =	swait.ge [sflag:s30], $0x2000  }
0xdd: {  	[sflag:s30] =	ssyncset.done $0x0  }
0xde: {  	s25 =	simm.s32 $0x4;
	s20 =	rddreg [dreg:$0x7];
	[sflag:s30] =	ssyncadd.s32 $0xFFFFE000  }
0xdf: {  	[hbm4b:s20+s3] =	stream.linear.scatter [tilespmem:s24], [sflag:$0xD], $0x2000, $0x38;
	[tilespmem:$0x17400] =	vst v63  }
0xe0: {  	_ =	swait.ge [sflag:s25], $0x2000  }
0xe1: {  	[sflag:s25] =	ssyncset.done $0x0  }
0xe2: {  	s28 =	rddreg [dreg:$0x8];
	[sflag:s25] =	ssyncadd.s32 $0xFFFFE000  }
0xe3: {  	[hbm4b:s28+s3] =	stream.linear.scatter [tilespmem:s29], [sflag:$0xE], $0x2000, $0x38;
	[tilespmem:$0x17400] =	vst v63  }
0xe4: {  	s29 =	simm.s32 $0x5  }
0xe5: {  	_ =	swait.ge [sflag:s29], $0x2000  }
0xe6: {  	[sflag:s29] =	ssyncset.done $0x0  }
0xe7: {  	s30 =	rddreg [dreg:$0x9];
	[sflag:s29] =	ssyncadd.s32 $0xFFFFE000  }
0xe8: {  	[hbm4b:s30+s3] =	stream.linear.scatter [tilespmem:s31], [sflag:$0xF], $0x2000, $0x38;
	[tilespmem:$0x17400] =	vst v63  }
0xe9: {  	s31 =	simm.s32 $0x6  }
0xea: {  	_ =	swait.ge [sflag:s31], $0x2000  }
0xeb: {  	[sflag:s31] =	ssyncset.done $0x0  }
0xec: {  	s20 =	rddreg [dreg:$0xa];
	[sflag:s31] =	ssyncadd.s32 $0xFFFFE000  }
0xed: {  	[hbm4b:s20+s3] =	stream.linear.scatter [tilespmem:s0], [sflag:$0x10], $0x2000, $0x38;
	[tilespmem:$0x17400] =	vst v63  }
0xee: {  	_ =	swait.ge [sflag:s6], $0x2000  }
0xef: {  	[sflag:s6] =	ssyncset.done $0x0  }
0xf0: {  	s24 =	rddreg [dreg:$0xb];
	[sflag:s6] =	ssyncadd.s32 $0xFFFFE000  }
0xf1: {  	[hbm4b:s24+s3] =	stream.linear.scatter [tilespmem:s22], [sflag:$0x11], $0x2000, $0x38;
	[tilespmem:$0x17400] =	vst v63  }
0xf2: {  	_ =	swait.ge [sflag:s7], $0x2000  }
0xf3: {  	[sflag:s7] =	ssyncset.done $0x0  }
0xf4: {  	s25 =	rddreg [dreg:$0xc];
	[sflag:s7] =	ssyncadd.s32 $0xFFFFE000  }
0xf5: {  	[hbm4b:s25+s3] =	stream.linear.scatter [tilespmem:s26], [sflag:$0x12], $0x2000, $0x38;
	[tilespmem:$0x17400] =	vst v63  }
0xf6: {  	_ =	swait.ge [sflag:s8], $0x2000  }
0xf7: {  	[sflag:s8] =	ssyncset.done $0x0  }
0xf8: {  	s28 =	rddreg [dreg:$0xd];
	[sflag:s8] =	ssyncadd.s32 $0xFFFFE000  }
0xf9: {  	[hbm4b:s28+s3] =	stream.linear.scatter [tilespmem:s4], [sflag:$0x13], $0x2000, $0x38;
	[tilespmem:$0x17400] =	vst v63  }
0xfa: {  	_ =	swait.ge [sflag:s9], $0x2000  }
0xfb: {  	[sflag:s9] =	ssyncset.done $0x0  }
0xfc: {  	s29 =	rddreg [dreg:$0xe];
	[sflag:s9] =	ssyncadd.s32 $0xFFFFE000  }
0xfd: {  	[hbm4b:s29+s3] =	stream.linear.scatter [tilespmem:s5], [sflag:$0x14], $0x2000, $0x38;
	[tilespmem:$0x17400] =	vst v63  }
0xfe: {  	_ =	swait.ge [sflag:s10], $0x2000  }
0xff: {  	[sflag:s10] =	ssyncset.done $0x0  }
0x100: {  	[sflag:s10] =	ssyncadd.s32 $0xFFFFE000  }
0x101: {  	_ =	swait.ge [sflag:s11], $0x2000  }
0x102: {  	[sflag:s11] =	ssyncset.done $0x0  }
0x103: {  	[sflag:s11] =	ssyncadd.s32 $0xFFFFE000  }
0x104: {  	_ =	swait.ge [sflag:s12], $0x2000  }
0x105: {  	[sflag:s12] =	ssyncset.done $0x0  }
0x106: {  	[sflag:s12] =	ssyncadd.s32 $0xFFFFE000  }
0x107: {  	_ =	swait.ge [sflag:s13], $0x2000  }
0x108: {  	[sflag:s13] =	ssyncset.done $0x0  }
0x109: {  	[sflag:s13] =	ssyncadd.s32 $0xFFFFE000  }
0x10a: {  	_ =	swait.ge [sflag:s14], $0x2000  }
0x10b: {  	[sflag:s14] =	ssyncset.done $0x0  }
0x10c: {  	[sflag:s14] =	ssyncadd.s32 $0xFFFFE000  }
0x10d: {  	_ =	swait.ge [sflag:s15], $0x2000  }
0x10e: {  	[sflag:s15] =	ssyncset.done $0x0  }
0x10f: {  	[sflag:s15] =	ssyncadd.s32 $0xFFFFE000  }
0x110: {  	_ =	swait.ge [sflag:s17], $0x2000  }
0x111: {  	[sflag:s17] =	ssyncset.done $0x0  }
0x112: {  	[sflag:s17] =	ssyncadd.s32 $0xFFFFE000  }
0x113: {  	_ =	swait.ge [sflag:s16], $0x2000  }
0x114: {  	[sflag:s16] =	ssyncset.done $0x0  }
0x115: {  	[sflag:s16] =	ssyncadd.s32 $0xFFFFE000  }
0x116: {  	_ =	swait.ge [sflag:s19], $0x2000  }
0x117: {  	[sflag:s19] =	ssyncset.done $0x0  }
0x118: {  	[sflag:s19] =	ssyncadd.s32 $0xFFFFE000  }
0x119: {  	_ =	swait.ge [sflag:s21], $0x2000  }
0x11a: {  	s30 =	rddreg [dreg:$0x11]  }
0x11b: {  	s31 =	rddreg [dreg:$0xf];
	s0 =	sadd.s32 $0x1, s30  }
0x11c: {  	p0 =	sne.s32 s0, s31  }
.Ltmp1:
0x11d: {  	_ = 	snop;
	(pc) =	sbr.rel @p0 .LBB2_1-.Ltmp1, $3  }
0x11e: {  	_ =	sdelay $0x1  }
0x11f: {  	[sflag:s21] =	ssyncset.done $0x0  }
0x120: {  	[sflag:s21] =	ssyncadd.s32 $0xFFFFE000  }
0x121: {  	_ =	sfence.sel $0x180000  }
0x122: {  	[bflag:$0x0] =	sbarrier.arrive $0xFFFF  }
0x123: {  	_ =	strace $0x90000047  }
0x124: {  	s0 =	stileid.u32;
	[bflag:$0x2] =	sbarrier.arrive $0xFFFF  }
0x125: {  	p0 =	sne.s32 s0, $0x0;
	s0 =	rddreg [dreg:$0x3]  }
0x126: {  	s0 =	sadd.s32 @!p0 $0x100000, s0  }
0x127: {  	[sflag:s0] =	ssyncadd.tile.s32 @!p0 $0x1;
	_ =	shalt  }
.Lfunc_end2:
_tile_overlayer_lowered:
.L_overlay_start_2:
0x128: {  	(tag) =	ssettag $0x2  }
0x129: {  	s0 =	rddreg [dreg:$0x0];
	s2 =	stileid.u32  }
0x12a: {  	s1 =	rddreg [dreg:$0x1];
	p0 =	sne.s32 s2, $0x0  }
0x12b: {  	s3 =	rddreg [dreg:$0x2];
	[bflag:$0x3] =	sbarrier.arrive $0xFFFF;
	s2 =	simm.s32 @!p0 $0x1C15  }
0x12c: {  	[timem:s3], [sflag:s2] =	dma.local @!p0 [hbm:s0], s1  }
0x12d: {  	s0 =	simm.s32 @!p0 $0x15  }
0x12e: {  	_ =	swait.ge @!p0 [sflag:s0], s1  }
0x12f: {  	s1 =	ssub.s32 @!p0 $0x0, s1;
	[sflag:s0] =	ssyncset.done @!p0 $0x0  }
0x130: {  	[sflag:s0] =	ssyncadd.s32 @!p0 s1  }
0x131: {  	[bflag:$0x3] =	sbarrier.arrive $0xFFFF  }
0x132: {  	_ =	shalt  }

</sc_bundles>
